<compile_context>
chip_gen: v7x
topology: tpu7x:2x2x1
jax: 0.10.2.dev20260603
libtpu: 0.0.44.dev20260713+nightly
codegen_flags: <defaults>
</compile_context>

<pallas_src>
import functools

import jax
import jax.numpy as jnp
from jax import lax
from jax.experimental import pallas as pl
from jax.experimental.pallas import tpu as pltpu
from jax.experimental.pallas import tpu_sc as plsc


def _make_emb(B, S, V, D, NC, NS):
    NW = NC * NS
    N = B * S
    n_per_w = N // NW
    w_per_row = S // n_per_w
    CH = 64
    NBUF = 2
    n_chunks = n_per_w // CH
    n_outer = n_chunks // NBUF
    mesh = plsc.VectorSubcoreMesh(core_axis_name="c", subcore_axis_name="s")

    @functools.partial(
        pl.kernel,
        mesh=mesh,
        out_type=jax.ShapeDtypeStruct((B, S, D), jnp.float32),
        scratch_types=[
            pltpu.VMEM((n_per_w,), jnp.int32),
            pltpu.VMEM((NBUF, CH, D), jnp.float32),
        ] + [pltpu.SemaphoreType.DMA] * (2 * NBUF),
    )
    def emb(tok_hbm, table_hbm, out_hbm, idx_all, rows_v, *sems):
        gsems, ssems = sems[:NBUF], sems[NBUF:]
        wid = lax.axis_index("s") * NC + lax.axis_index("c")
        bi = wid // w_per_row
        off = (wid % w_per_row) * n_per_w
        pltpu.sync_copy(tok_hbm.at[bi, pl.ds(off, n_per_w)], idx_all)

        def g_start(i, b):
            pltpu.async_copy(
                table_hbm.at[idx_all.at[pl.ds(i * CH, CH)]],
                rows_v.at[b], gsems[b])

        def g_wait(i, b):
            pltpu.make_async_copy(
                table_hbm.at[idx_all.at[pl.ds(i * CH, CH)]],
                rows_v.at[b], gsems[b]).wait()

        def s_start(i, b):
            pltpu.async_copy(
                rows_v.at[b], out_hbm.at[bi, pl.ds(off + i * CH, CH)],
                ssems[b])

        def s_wait(i, b):
            pltpu.make_async_copy(
                rows_v.at[b], out_hbm.at[bi, pl.ds(off + i * CH, CH)],
                ssems[b]).wait()

        g_start(0, 0)
        g_start(1, 1)

        def outer(g2, _):
            i0 = g2 * NBUF
            for b in range(NBUF):
                i = i0 + b
                g_wait(i, b)
                s_start(i, b)
                @pl.when(g2 < n_outer - 1)
                def _():
                    s_wait(i, b)
                    g_start(i + NBUF, b)

            return 0

        lax.fori_loop(0, n_outer, outer, 0)
        s_wait(n_chunks - 2, 0)
        s_wait(n_chunks - 1, 1)

    return emb


def kernel(tokens, W_E):
    B, S = tokens.shape
    V, D = W_E.shape
    info = plsc.get_sparse_core_info()
    emb = _make_emb(B, S, V, D, info.num_cores, info.num_subcores)
    return emb(tokens, W_E)

# --- scband reference (transcript-rebuilt; emitter-appended) ---
"""Pipeline reference for scband-embed-4080218931406 (READ-ONLY COPY).

The authoritative reference and input builder live on the scoring server;
editing this copy changes nothing except your own understanding.
"""

import jax, jax.numpy as jnp
import numpy as np

D_VOCAB = 100000
D_MODEL = 768
BATCH = 4
SEQ = 8192
INIT_RANGE = 0.02

def setup_inputs(seed: int = 0) -> dict:
    key = jax.random.key(seed)
    k_tok, k_we = jax.random.split(key)
    tokens = jax.random.randint(k_tok, (BATCH, SEQ), 0, D_VOCAB, dtype=jnp.int64 if jax.config.read('jax_enable_x64') else jnp.int32)
    W_E = jax.random.normal(k_we, (D_VOCAB, D_MODEL), dtype=jnp.float32) * INIT_RANGE
    return {"tokens": tokens, "W_E": W_E}

def reference(tokens, W_E):
    # Faithful translation of: return self.W_E[tokens]
    return jnp.take(W_E, tokens, axis=0)

if __name__ == "__main__":
    import jax
    _d = setup_inputs()
    print(jax.jit(kernel)(*tuple(_d.values())))

</pallas_src>

<mosaic_0001>
#map = affine_map<(d0, d1) -> (0, 0)>
#map1 = affine_map<(d0, d1) -> (0, 0, 0)>
module attributes {stable_mosaic.version = 14 : i64} {
  func.func @emb(%arg0: i32, %arg1: i32, %arg2: memref<4x8192xi32, #tpu.memory_space<hbm>>, %arg3: memref<100000x768xf32, #tpu.memory_space<hbm>>, %arg4: memref<4x8192x768xf32, #tpu.memory_space<hbm>>, %arg5: memref<1024xi32, #tpu.memory_space<vmem>>, %arg6: memref<2x64x768xf32, #tpu.memory_space<vmem>>, %arg7: memref<!tpu.dma_semaphore, #tpu.memory_space<semaphore_mem>>, %arg8: memref<!tpu.dma_semaphore, #tpu.memory_space<semaphore_mem>>, %arg9: memref<!tpu.dma_semaphore, #tpu.memory_space<semaphore_mem>>, %arg10: memref<!tpu.dma_semaphore, #tpu.memory_space<semaphore_mem>>) attributes {dimension_semantics = [#tpu.dimension_semantics<core_parallel>, #tpu.dimension_semantics<subcore_parallel>], iteration_bounds = array<i64: 2, 16>, scalar_prefetch = 0 : i64, scratch_operands = 6 : i64, tpu.core_type = #tpu.core_type<sc_vector_subcore>, window_params = [{transform_indices = #map}, {transform_indices = #map}, {transform_indices = #map1}]} {
    %mul3A = arith.constant 2 : i32
    %mul3A_0 = arith.muli %arg1, %mul3A : i32
    %add3A = arith.addi %mul3A_0, %arg0 : i32
    %jit3A = arith.constant 8 : i32
    %div3A = arith.divsi %add3A, %jit3A : i32
    %sign3A = arith.constant 0 : i32
    %sign3A_1 = arith.cmpi sgt, %add3A, %sign3A : i32
    %sign3A_2 = arith.extui %sign3A_1 : i1 to i32
    %sign3A_3 = arith.constant 0 : i32
    %sign3A_4 = arith.cmpi slt, %add3A, %sign3A_3 : i32
    %sign3A_5 = arith.extui %sign3A_4 : i1 to i32
    %sign3A_6 = arith.subi %sign3A_2, %sign3A_5 : i32
    %sign3A_7 = arith.constant 0 : i32
    %sign3A_8 = arith.cmpi sgt, %jit3A, %sign3A_7 : i32
    %sign3A_9 = arith.extui %sign3A_8 : i1 to i32
    %sign3A_10 = arith.constant 0 : i32
    %sign3A_11 = arith.cmpi slt, %jit3A, %sign3A_10 : i32
    %sign3A_12 = arith.extui %sign3A_11 : i1 to i32
    %sign3A_13 = arith.subi %sign3A_9, %sign3A_12 : i32
    %ne3A = arith.cmpi ne, %sign3A_6, %sign3A_13 : i32
    %rem3A = arith.remsi %add3A, %jit3A : i32
    %ne3A_14 = arith.constant 0 : i32
    %ne3A_15 = arith.cmpi ne, %rem3A, %ne3A_14 : i32
    %and3A = arith.andi %ne3A, %ne3A_15 : i1
    %sub3A = arith.constant 1 : i32
    %sub3A_16 = arith.subi %div3A, %sub3A : i32
    %select_n3A = arith.select %and3A, %sub3A_16, %div3A : i32
    %jit3A_17 = arith.constant 8 : i32
    %eq3A = arith.constant 0 : i32
    %eq3A_18 = arith.cmpi eq, %jit3A_17, %eq3A : i32
    %jit3A_19 = arith.constant 1 : i32
    %select_n3A_20 = arith.select %eq3A_18, %jit3A_19, %jit3A_17 : i32
    %rem3A_21 = arith.remsi %add3A, %select_n3A_20 : i32
    %ne3A_22 = arith.constant 0 : i32
    %ne3A_23 = arith.cmpi ne, %rem3A_21, %ne3A_22 : i32
    %lt3A = arith.constant 0 : i32
    %lt3A_24 = arith.cmpi slt, %rem3A_21, %lt3A : i32
    %lt3A_25 = arith.constant 0 : i32
    %lt3A_26 = arith.cmpi slt, %select_n3A_20, %lt3A_25 : i32
    %ne3A_27 = arith.xori %lt3A_24, %lt3A_26 : i1
    %and3A_28 = arith.andi %ne3A_27, %ne3A_23 : i1
    %add3A_29 = arith.addi %rem3A_21, %select_n3A_20 : i32
    %select_n3A_30 = arith.select %and3A_28, %add3A_29, %rem3A_21 : i32
    %mul3A_31 = arith.constant 1024 : i32
    %mul3A_32 = arith.muli %select_n3A_30, %mul3A_31 : i32
    "tpu.region"() ({
      %run_scoped3A = tpu.sem_alloc : memref<!tpu.dma_semaphore, #tpu.memory_space<semaphore_mem>>
      %dma_start3A_91 = tpu.memref_slice %arg2[%select_n3A, %mul3A_32] : memref<4x8192xi32, #tpu.memory_space<hbm>> -> memref<1x1024xi32, #tpu.memory_space<hbm>>
      %dma_start3A_92 = tpu.memref_squeeze %dma_start3A_91 : memref<1x1024xi32, #tpu.memory_space<hbm>> -> memref<1024xi32, #tpu.memory_space<hbm>>
      %dma_start3A_93 = tpu.memref_slice %arg2[%select_n3A, %mul3A_32] : memref<4x8192xi32, #tpu.memory_space<hbm>> -> memref<1x1024xi32, #tpu.memory_space<hbm>>
      %dma_start3A_94 = tpu.memref_squeeze %dma_start3A_93 : memref<1x1024xi32, #tpu.memory_space<hbm>> -> memref<1024xi32, #tpu.memory_space<hbm>>
      tpu.enqueue_dma source(%dma_start3A_94 : memref<1024xi32, #tpu.memory_space<hbm>>) target(%arg5 : memref<1024xi32, #tpu.memory_space<vmem>>) target_semaphore(%run_scoped3A : memref<!tpu.dma_semaphore, #tpu.memory_space<semaphore_mem>>)
      %dma_wait3A_95 = tpu.memref_slice %arg2[%select_n3A, %mul3A_32] : memref<4x8192xi32, #tpu.memory_space<hbm>> -> memref<1x1024xi32, #tpu.memory_space<hbm>>
      %dma_wait3A_96 = tpu.memref_squeeze %dma_wait3A_95 : memref<1x1024xi32, #tpu.memory_space<hbm>> -> memref<1024xi32, #tpu.memory_space<hbm>>
      %dma_wait3A_97 = tpu.memref_slice %arg2[%select_n3A, %mul3A_32] : memref<4x8192xi32, #tpu.memory_space<hbm>> -> memref<1x1024xi32, #tpu.memory_space<hbm>>
      %dma_wait3A_98 = tpu.memref_squeeze %dma_wait3A_97 : memref<1x1024xi32, #tpu.memory_space<hbm>> -> memref<1024xi32, #tpu.memory_space<hbm>>
      tpu.wait_dma2 semaphore(%run_scoped3A : memref<!tpu.dma_semaphore, #tpu.memory_space<semaphore_mem>>) src(%dma_wait3A_98 : memref<1024xi32, #tpu.memory_space<hbm>>) dst(%arg5 : memref<1024xi32, #tpu.memory_space<vmem>>)
      tpu.yield
    }) : () -> ()
    %dma_start3A = arith.constant 0 : i32
    %dma_start3A_33 = arith.constant 0 : i32
    %dma_start3A_34 = arith.constant 0 : i32
    %dma_start3A_35 = tpu.memref_slice %arg6[%dma_start3A, %dma_start3A_33, %dma_start3A_34] : memref<2x64x768xf32, #tpu.memory_space<vmem>> -> memref<1x64x768xf32, #tpu.memory_space<vmem>>
    %dma_start3A_36 = tpu.memref_squeeze %dma_start3A_35 : memref<1x64x768xf32, #tpu.memory_space<vmem>> -> memref<64x768xf32, #tpu.memory_space<vmem>>
    %dma_start3A_37 = arith.constant 0 : i32
    %dma_start3A_38 = tpu.memref_slice %arg5[%dma_start3A_37] : memref<1024xi32, #tpu.memory_space<vmem>> -> memref<64xi32, #tpu.memory_space<vmem>>
    %dma_start3A_39 = arith.constant 0 : i32
    %dma_start3A_40 = arith.constant 0 : i32
    %dma_start3A_41 = tpu.memref_slice %arg3[%dma_start3A_39, %dma_start3A_40] : memref<100000x768xf32, #tpu.memory_space<hbm>> -> memref<100000x768xf32, #tpu.memory_space<hbm>>
    tpu.enqueue_indirect_dma source(%dma_start3A_41 : memref<100000x768xf32, #tpu.memory_space<hbm>>) target(%dma_start3A_36 : memref<64x768xf32, #tpu.memory_space<vmem>>) offsets(%dma_start3A_38 : memref<64xi32, #tpu.memory_space<vmem>>) semaphore(%arg7 : memref<!tpu.dma_semaphore, #tpu.memory_space<semaphore_mem>>)
    %dma_start3A_42 = arith.constant 1 : i32
    %dma_start3A_43 = arith.constant 0 : i32
    %dma_start3A_44 = arith.constant 0 : i32
    %dma_start3A_45 = tpu.memref_slice %arg6[%dma_start3A_42, %dma_start3A_43, %dma_start3A_44] : memref<2x64x768xf32, #tpu.memory_space<vmem>> -> memref<1x64x768xf32, #tpu.memory_space<vmem>>
    %dma_start3A_46 = tpu.memref_squeeze %dma_start3A_45 : memref<1x64x768xf32, #tpu.memory_space<vmem>> -> memref<64x768xf32, #tpu.memory_space<vmem>>
    %dma_start3A_47 = arith.constant 64 : i32
    %dma_start3A_48 = tpu.memref_slice %arg5[%dma_start3A_47] : memref<1024xi32, #tpu.memory_space<vmem>> -> memref<64xi32, #tpu.memory_space<vmem>>
    %dma_start3A_49 = arith.constant 0 : i32
    %dma_start3A_50 = arith.constant 0 : i32
    %dma_start3A_51 = tpu.memref_slice %arg3[%dma_start3A_49, %dma_start3A_50] : memref<100000x768xf32, #tpu.memory_space<hbm>> -> memref<100000x768xf32, #tpu.memory_space<hbm>>
    tpu.enqueue_indirect_dma source(%dma_start3A_51 : memref<100000x768xf32, #tpu.memory_space<hbm>>) target(%dma_start3A_46 : memref<64x768xf32, #tpu.memory_space<vmem>>) offsets(%dma_start3A_48 : memref<64xi32, #tpu.memory_space<vmem>>) semaphore(%arg8 : memref<!tpu.dma_semaphore, #tpu.memory_space<semaphore_mem>>)
    %scan3A = arith.constant 0 : i32
    %scan3A_52 = arith.constant 0 : i32
    %scan3A_53 = arith.constant 8 : i32
    %scan3A_54 = arith.addi %scan3A_52, %scan3A_53 : i32
    %scan3A_55 = arith.constant 1 : i32
    %scan3A_56 = scf.for %scan3A_91 = %scan3A_52 to %scan3A_54 step %scan3A_55 iter_args(%scan3A_92 = %scan3A) -> (i32)  : i32 {
      %mul3A_93 = arith.constant 2 : i32
      %mul3A_94 = arith.muli %scan3A_91, %mul3A_93 : i32
      %add3A_95 = arith.constant 0 : i32
      %add3A_96 = arith.addi %mul3A_94, %add3A_95 : i32
      %mul3A_97 = arith.constant 64 : i32
      %mul3A_98 = arith.muli %add3A_96, %mul3A_97 : i32
      %dma_wait3A_99 = arith.constant 0 : i32
      %dma_wait3A_100 = arith.constant 0 : i32
      %dma_wait3A_101 = arith.constant 0 : i32
      %dma_wait3A_102 = tpu.memref_slice %arg6[%dma_wait3A_99, %dma_wait3A_100, %dma_wait3A_101] : memref<2x64x768xf32, #tpu.memory_space<vmem>> -> memref<1x64x768xf32, #tpu.memory_space<vmem>>
      %dma_wait3A_103 = tpu.memref_squeeze %dma_wait3A_102 : memref<1x64x768xf32, #tpu.memory_space<vmem>> -> memref<64x768xf32, #tpu.memory_space<vmem>>
      %dma_wait3A_104 = tpu.memref_slice %arg5[%mul3A_98] : memref<1024xi32, #tpu.memory_space<vmem>> -> memref<64xi32, #tpu.memory_space<vmem>>
      %dma_wait3A_105 = arith.constant 0 : i32
      %dma_wait3A_106 = arith.constant 0 : i32
      %dma_wait3A_107 = tpu.memref_slice %arg3[%dma_wait3A_105, %dma_wait3A_106] : memref<100000x768xf32, #tpu.memory_space<hbm>> -> memref<100000x768xf32, #tpu.memory_space<hbm>>
      tpu.wait_indirect_dma semaphore(%arg7 : memref<!tpu.dma_semaphore, #tpu.memory_space<semaphore_mem>>) src(%dma_wait3A_107 : memref<100000x768xf32, #tpu.memory_space<hbm>>) dst(%dma_wait3A_103 : memref<64x768xf32, #tpu.memory_space<vmem>>)
      %mul3A_108 = arith.constant 64 : i32
      %mul3A_109 = arith.muli %add3A_96, %mul3A_108 : i32
      %add3A_110 = arith.addi %mul3A_32, %mul3A_109 : i32
      %dma_start3A_111 = arith.constant 0 : i32
      %dma_start3A_112 = arith.constant 0 : i32
      %dma_start3A_113 = arith.constant 0 : i32
      %dma_start3A_114 = tpu.memref_slice %arg6[%dma_start3A_111, %dma_start3A_112, %dma_start3A_113] : memref<2x64x768xf32, #tpu.memory_space<vmem>> -> memref<1x64x768xf32, #tpu.memory_space<vmem>>
      %dma_start3A_115 = tpu.memref_squeeze %dma_start3A_114 : memref<1x64x768xf32, #tpu.memory_space<vmem>> -> memref<64x768xf32, #tpu.memory_space<vmem>>
      %dma_start3A_116 = arith.constant 0 : i32
      %dma_start3A_117 = tpu.memref_slice %arg4[%select_n3A, %add3A_110, %dma_start3A_116] : memref<4x8192x768xf32, #tpu.memory_space<hbm>> -> memref<1x64x768xf32, #tpu.memory_space<hbm>>
      %dma_start3A_118 = tpu.memref_squeeze %dma_start3A_117 : memref<1x64x768xf32, #tpu.memory_space<hbm>> -> memref<64x768xf32, #tpu.memory_space<hbm>>
      %dma_start3A_119 = arith.constant 0 : i32
      %dma_start3A_120 = tpu.memref_slice %arg4[%select_n3A, %add3A_110, %dma_start3A_119] : memref<4x8192x768xf32, #tpu.memory_space<hbm>> -> memref<1x64x768xf32, #tpu.memory_space<hbm>>
      %dma_start3A_121 = tpu.memref_squeeze %dma_start3A_120 : memref<1x64x768xf32, #tpu.memory_space<hbm>> -> memref<64x768xf32, #tpu.memory_space<hbm>>
      %dma_start3A_122 = arith.constant 0 : i32
      %dma_start3A_123 = arith.constant 0 : i32
      %dma_start3A_124 = tpu.memref_slice %arg6[%dma_start3A_111, %dma_start3A_122, %dma_start3A_123] : memref<2x64x768xf32, #tpu.memory_space<vmem>> -> memref<1x64x768xf32, #tpu.memory_space<vmem>>
      %dma_start3A_125 = tpu.memref_squeeze %dma_start3A_124 : memref<1x64x768xf32, #tpu.memory_space<vmem>> -> memref<64x768xf32, #tpu.memory_space<vmem>>
      tpu.enqueue_dma source(%dma_start3A_125 : memref<64x768xf32, #tpu.memory_space<vmem>>) target(%dma_start3A_121 : memref<64x768xf32, #tpu.memory_space<hbm>>) target_semaphore(%arg9 : memref<!tpu.dma_semaphore, #tpu.memory_space<semaphore_mem>>)
      %lt3A_126 = arith.constant 7 : i32
      %lt3A_127 = arith.cmpi slt, %scan3A_91, %lt3A_126 : i32
      %convert_element_type3A = arith.extui %lt3A_127 : i1 to i32
      %cond3A = arith.constant 0 : i32
      %cond3A_128 = arith.cmpi ne, %convert_element_type3A, %cond3A : i32
      scf.if %cond3A_128 {
        %mul3A_166 = arith.constant 64 : i32
        %mul3A_167 = arith.muli %add3A_96, %mul3A_166 : i32
        %add3A_168 = arith.addi %mul3A_32, %mul3A_167 : i32
        %dma_wait3A_169 = arith.constant 0 : i32
        %dma_wait3A_170 = arith.constant 0 : i32
        %dma_wait3A_171 = arith.constant 0 : i32
        %dma_wait3A_172 = tpu.memref_slice %arg6[%dma_wait3A_169, %dma_wait3A_170, %dma_wait3A_171] : memref<2x64x768xf32, #tpu.memory_space<vmem>> -> memref<1x64x768xf32, #tpu.memory_space<vmem>>
        %dma_wait3A_173 = tpu.memref_squeeze %dma_wait3A_172 : memref<1x64x768xf32, #tpu.memory_space<vmem>> -> memref<64x768xf32, #tpu.memory_space<vmem>>
        %dma_wait3A_174 = arith.constant 0 : i32
        %dma_wait3A_175 = tpu.memref_slice %arg4[%select_n3A, %add3A_168, %dma_wait3A_174] : memref<4x8192x768xf32, #tpu.memory_space<hbm>> -> memref<1x64x768xf32, #tpu.memory_space<hbm>>
        %dma_wait3A_176 = tpu.memref_squeeze %dma_wait3A_175 : memref<1x64x768xf32, #tpu.memory_space<hbm>> -> memref<64x768xf32, #tpu.memory_space<hbm>>
        %dma_wait3A_177 = arith.constant 0 : i32
        %dma_wait3A_178 = tpu.memref_slice %arg4[%select_n3A, %add3A_168, %dma_wait3A_177] : memref<4x8192x768xf32, #tpu.memory_space<hbm>> -> memref<1x64x768xf32, #tpu.memory_space<hbm>>
        %dma_wait3A_179 = tpu.memref_squeeze %dma_wait3A_178 : memref<1x64x768xf32, #tpu.memory_space<hbm>> -> memref<64x768xf32, #tpu.memory_space<hbm>>
        %dma_wait3A_180 = arith.constant 0 : i32
        %dma_wait3A_181 = arith.constant 0 : i32
        %dma_wait3A_182 = tpu.memref_slice %arg6[%dma_wait3A_169, %dma_wait3A_180, %dma_wait3A_181] : memref<2x64x768xf32, #tpu.memory_space<vmem>> -> memref<1x64x768xf32, #tpu.memory_space<vmem>>
        %dma_wait3A_183 = tpu.memref_squeeze %dma_wait3A_182 : memref<1x64x768xf32, #tpu.memory_space<vmem>> -> memref<64x768xf32, #tpu.memory_space<vmem>>
        tpu.wait_dma2 semaphore(%arg9 : memref<!tpu.dma_semaphore, #tpu.memory_space<semaphore_mem>>) src(%dma_wait3A_183 : memref<64x768xf32, #tpu.memory_space<vmem>>) dst(%dma_wait3A_179 : memref<64x768xf32, #tpu.memory_space<hbm>>)
        %add3A_184 = arith.constant 2 : i32
        %add3A_185 = arith.addi %add3A_96, %add3A_184 : i32
        %mul3A_186 = arith.constant 64 : i32
        %mul3A_187 = arith.muli %add3A_185, %mul3A_186 : i32
        %dma_start3A_188 = arith.constant 0 : i32
        %dma_start3A_189 = arith.constant 0 : i32
        %dma_start3A_190 = arith.constant 0 : i32
        %dma_start3A_191 = tpu.memref_slice %arg6[%dma_start3A_188, %dma_start3A_189, %dma_start3A_190] : memref<2x64x768xf32, #tpu.memory_space<vmem>> -> memref<1x64x768xf32, #tpu.memory_space<vmem>>
        %dma_start3A_192 = tpu.memref_squeeze %dma_start3A_191 : memref<1x64x768xf32, #tpu.memory_space<vmem>> -> memref<64x768xf32, #tpu.memory_space<vmem>>
        %dma_start3A_193 = tpu.memref_slice %arg5[%mul3A_187] : memref<1024xi32, #tpu.memory_space<vmem>> -> memref<64xi32, #tpu.memory_space<vmem>>
        %dma_start3A_194 = arith.constant 0 : i32
        %dma_start3A_195 = arith.constant 0 : i32
        %dma_start3A_196 = tpu.memref_slice %arg3[%dma_start3A_194, %dma_start3A_195] : memref<100000x768xf32, #tpu.memory_space<hbm>> -> memref<100000x768xf32, #tpu.memory_space<hbm>>
        tpu.enqueue_indirect_dma source(%dma_start3A_196 : memref<100000x768xf32, #tpu.memory_space<hbm>>) target(%dma_start3A_192 : memref<64x768xf32, #tpu.memory_space<vmem>>) offsets(%dma_start3A_193 : memref<64xi32, #tpu.memory_space<vmem>>) semaphore(%arg7 : memref<!tpu.dma_semaphore, #tpu.memory_space<semaphore_mem>>)
      } else {
      }
      %add3A_129 = arith.constant 1 : i32
      %add3A_130 = arith.addi %mul3A_94, %add3A_129 : i32
      %mul3A_131 = arith.constant 64 : i32
      %mul3A_132 = arith.muli %add3A_130, %mul3A_131 : i32
      %dma_wait3A_133 = arith.constant 1 : i32
      %dma_wait3A_134 = arith.constant 0 : i32
      %dma_wait3A_135 = arith.constant 0 : i32
      %dma_wait3A_136 = tpu.memref_slice %arg6[%dma_wait3A_133, %dma_wait3A_134, %dma_wait3A_135] : memref<2x64x768xf32, #tpu.memory_space<vmem>> -> memref<1x64x768xf32, #tpu.memory_space<vmem>>
      %dma_wait3A_137 = tpu.memref_squeeze %dma_wait3A_136 : memref<1x64x768xf32, #tpu.memory_space<vmem>> -> memref<64x768xf32, #tpu.memory_space<vmem>>
      %dma_wait3A_138 = tpu.memref_slice %arg5[%mul3A_132] : memref<1024xi32, #tpu.memory_space<vmem>> -> memref<64xi32, #tpu.memory_space<vmem>>
      %dma_wait3A_139 = arith.constant 0 : i32
      %dma_wait3A_140 = arith.constant 0 : i32
      %dma_wait3A_141 = tpu.memref_slice %arg3[%dma_wait3A_139, %dma_wait3A_140] : memref<100000x768xf32, #tpu.memory_space<hbm>> -> memref<100000x768xf32, #tpu.memory_space<hbm>>
      tpu.wait_indirect_dma semaphore(%arg8 : memref<!tpu.dma_semaphore, #tpu.memory_space<semaphore_mem>>) src(%dma_wait3A_141 : memref<100000x768xf32, #tpu.memory_space<hbm>>) dst(%dma_wait3A_137 : memref<64x768xf32, #tpu.memory_space<vmem>>)
      %mul3A_142 = arith.constant 64 : i32
      %mul3A_143 = arith.muli %add3A_130, %mul3A_142 : i32
      %add3A_144 = arith.addi %mul3A_32, %mul3A_143 : i32
      %dma_start3A_145 = arith.constant 1 : i32
      %dma_start3A_146 = arith.constant 0 : i32
      %dma_start3A_147 = arith.constant 0 : i32
      %dma_start3A_148 = tpu.memref_slice %arg6[%dma_start3A_145, %dma_start3A_146, %dma_start3A_147] : memref<2x64x768xf32, #tpu.memory_space<vmem>> -> memref<1x64x768xf32, #tpu.memory_space<vmem>>
      %dma_start3A_149 = tpu.memref_squeeze %dma_start3A_148 : memref<1x64x768xf32, #tpu.memory_space<vmem>> -> memref<64x768xf32, #tpu.memory_space<vmem>>
      %dma_start3A_150 = arith.constant 0 : i32
      %dma_start3A_151 = tpu.memref_slice %arg4[%select_n3A, %add3A_144, %dma_start3A_150] : memref<4x8192x768xf32, #tpu.memory_space<hbm>> -> memref<1x64x768xf32, #tpu.memory_space<hbm>>
      %dma_start3A_152 = tpu.memref_squeeze %dma_start3A_151 : memref<1x64x768xf32, #tpu.memory_space<hbm>> -> memref<64x768xf32, #tpu.memory_space<hbm>>
      %dma_start3A_153 = arith.constant 0 : i32
      %dma_start3A_154 = tpu.memref_slice %arg4[%select_n3A, %add3A_144, %dma_start3A_153] : memref<4x8192x768xf32, #tpu.memory_space<hbm>> -> memref<1x64x768xf32, #tpu.memory_space<hbm>>
      %dma_start3A_155 = tpu.memref_squeeze %dma_start3A_154 : memref<1x64x768xf32, #tpu.memory_space<hbm>> -> memref<64x768xf32, #tpu.memory_space<hbm>>
      %dma_start3A_156 = arith.constant 0 : i32
      %dma_start3A_157 = arith.constant 0 : i32
      %dma_start3A_158 = tpu.memref_slice %arg6[%dma_start3A_145, %dma_start3A_156, %dma_start3A_157] : memref<2x64x768xf32, #tpu.memory_space<vmem>> -> memref<1x64x768xf32, #tpu.memory_space<vmem>>
      %dma_start3A_159 = tpu.memref_squeeze %dma_start3A_158 : memref<1x64x768xf32, #tpu.memory_space<vmem>> -> memref<64x768xf32, #tpu.memory_space<vmem>>
      tpu.enqueue_dma source(%dma_start3A_159 : memref<64x768xf32, #tpu.memory_space<vmem>>) target(%dma_start3A_155 : memref<64x768xf32, #tpu.memory_space<hbm>>) target_semaphore(%arg10 : memref<!tpu.dma_semaphore, #tpu.memory_space<semaphore_mem>>)
      %lt3A_160 = arith.constant 7 : i32
      %lt3A_161 = arith.cmpi slt, %scan3A_91, %lt3A_160 : i32
      %convert_element_type3A_162 = arith.extui %lt3A_161 : i1 to i32
      %cond3A_163 = arith.constant 0 : i32
      %cond3A_164 = arith.cmpi ne, %convert_element_type3A_162, %cond3A_163 : i32
      scf.if %cond3A_164 {
        %mul3A_166 = arith.constant 64 : i32
        %mul3A_167 = arith.muli %add3A_130, %mul3A_166 : i32
        %add3A_168 = arith.addi %mul3A_32, %mul3A_167 : i32
        %dma_wait3A_169 = arith.constant 1 : i32
        %dma_wait3A_170 = arith.constant 0 : i32
        %dma_wait3A_171 = arith.constant 0 : i32
        %dma_wait3A_172 = tpu.memref_slice %arg6[%dma_wait3A_169, %dma_wait3A_170, %dma_wait3A_171] : memref<2x64x768xf32, #tpu.memory_space<vmem>> -> memref<1x64x768xf32, #tpu.memory_space<vmem>>
        %dma_wait3A_173 = tpu.memref_squeeze %dma_wait3A_172 : memref<1x64x768xf32, #tpu.memory_space<vmem>> -> memref<64x768xf32, #tpu.memory_space<vmem>>
        %dma_wait3A_174 = arith.constant 0 : i32
        %dma_wait3A_175 = tpu.memref_slice %arg4[%select_n3A, %add3A_168, %dma_wait3A_174] : memref<4x8192x768xf32, #tpu.memory_space<hbm>> -> memref<1x64x768xf32, #tpu.memory_space<hbm>>
        %dma_wait3A_176 = tpu.memref_squeeze %dma_wait3A_175 : memref<1x64x768xf32, #tpu.memory_space<hbm>> -> memref<64x768xf32, #tpu.memory_space<hbm>>
        %dma_wait3A_177 = arith.constant 0 : i32
        %dma_wait3A_178 = tpu.memref_slice %arg4[%select_n3A, %add3A_168, %dma_wait3A_177] : memref<4x8192x768xf32, #tpu.memory_space<hbm>> -> memref<1x64x768xf32, #tpu.memory_space<hbm>>
        %dma_wait3A_179 = tpu.memref_squeeze %dma_wait3A_178 : memref<1x64x768xf32, #tpu.memory_space<hbm>> -> memref<64x768xf32, #tpu.memory_space<hbm>>
        %dma_wait3A_180 = arith.constant 0 : i32
        %dma_wait3A_181 = arith.constant 0 : i32
        %dma_wait3A_182 = tpu.memref_slice %arg6[%dma_wait3A_169, %dma_wait3A_180, %dma_wait3A_181] : memref<2x64x768xf32, #tpu.memory_space<vmem>> -> memref<1x64x768xf32, #tpu.memory_space<vmem>>
        %dma_wait3A_183 = tpu.memref_squeeze %dma_wait3A_182 : memref<1x64x768xf32, #tpu.memory_space<vmem>> -> memref<64x768xf32, #tpu.memory_space<vmem>>
        tpu.wait_dma2 semaphore(%arg10 : memref<!tpu.dma_semaphore, #tpu.memory_space<semaphore_mem>>) src(%dma_wait3A_183 : memref<64x768xf32, #tpu.memory_space<vmem>>) dst(%dma_wait3A_179 : memref<64x768xf32, #tpu.memory_space<hbm>>)
        %add3A_184 = arith.constant 2 : i32
        %add3A_185 = arith.addi %add3A_130, %add3A_184 : i32
        %mul3A_186 = arith.constant 64 : i32
        %mul3A_187 = arith.muli %add3A_185, %mul3A_186 : i32
        %dma_start3A_188 = arith.constant 1 : i32
        %dma_start3A_189 = arith.constant 0 : i32
        %dma_start3A_190 = arith.constant 0 : i32
        %dma_start3A_191 = tpu.memref_slice %arg6[%dma_start3A_188, %dma_start3A_189, %dma_start3A_190] : memref<2x64x768xf32, #tpu.memory_space<vmem>> -> memref<1x64x768xf32, #tpu.memory_space<vmem>>
        %dma_start3A_192 = tpu.memref_squeeze %dma_start3A_191 : memref<1x64x768xf32, #tpu.memory_space<vmem>> -> memref<64x768xf32, #tpu.memory_space<vmem>>
        %dma_start3A_193 = tpu.memref_slice %arg5[%mul3A_187] : memref<1024xi32, #tpu.memory_space<vmem>> -> memref<64xi32, #tpu.memory_space<vmem>>
        %dma_start3A_194 = arith.constant 0 : i32
        %dma_start3A_195 = arith.constant 0 : i32
        %dma_start3A_196 = tpu.memref_slice %arg3[%dma_start3A_194, %dma_start3A_195] : memref<100000x768xf32, #tpu.memory_space<hbm>> -> memref<100000x768xf32, #tpu.memory_space<hbm>>
        tpu.enqueue_indirect_dma source(%dma_start3A_196 : memref<100000x768xf32, #tpu.memory_space<hbm>>) target(%dma_start3A_192 : memref<64x768xf32, #tpu.memory_space<vmem>>) offsets(%dma_start3A_193 : memref<64xi32, #tpu.memory_space<vmem>>) semaphore(%arg8 : memref<!tpu.dma_semaphore, #tpu.memory_space<semaphore_mem>>)
      } else {
      }
      %scan3A_165 = arith.constant 0 : i32
      scf.yield %scan3A_165 : i32
    }
    %scan3A_57 = arith.constant 8 : i32
    %add3A_58 = arith.constant 896 : i32
    %add3A_59 = arith.addi %mul3A_32, %add3A_58 : i32
    %dma_wait3A = arith.constant 0 : i32
    %dma_wait3A_60 = arith.constant 0 : i32
    %dma_wait3A_61 = arith.constant 0 : i32
    %dma_wait3A_62 = tpu.memref_slice %arg6[%dma_wait3A, %dma_wait3A_60, %dma_wait3A_61] : memref<2x64x768xf32, #tpu.memory_space<vmem>> -> memref<1x64x768xf32, #tpu.memory_space<vmem>>
    %dma_wait3A_63 = tpu.memref_squeeze %dma_wait3A_62 : memref<1x64x768xf32, #tpu.memory_space<vmem>> -> memref<64x768xf32, #tpu.memory_space<vmem>>
    %dma_wait3A_64 = arith.constant 0 : i32
    %dma_wait3A_65 = tpu.memref_slice %arg4[%select_n3A, %add3A_59, %dma_wait3A_64] : memref<4x8192x768xf32, #tpu.memory_space<hbm>> -> memref<1x64x768xf32, #tpu.memory_space<hbm>>
    %dma_wait3A_66 = tpu.memref_squeeze %dma_wait3A_65 : memref<1x64x768xf32, #tpu.memory_space<hbm>> -> memref<64x768xf32, #tpu.memory_space<hbm>>
    %dma_wait3A_67 = arith.constant 0 : i32
    %dma_wait3A_68 = tpu.memref_slice %arg4[%select_n3A, %add3A_59, %dma_wait3A_67] : memref<4x8192x768xf32, #tpu.memory_space<hbm>> -> memref<1x64x768xf32, #tpu.memory_space<hbm>>
    %dma_wait3A_69 = tpu.memref_squeeze %dma_wait3A_68 : memref<1x64x768xf32, #tpu.memory_space<hbm>> -> memref<64x768xf32, #tpu.memory_space<hbm>>
    %dma_wait3A_70 = arith.constant 0 : i32
    %dma_wait3A_71 = arith.constant 0 : i32
    %dma_wait3A_72 = tpu.memref_slice %arg6[%dma_wait3A, %dma_wait3A_70, %dma_wait3A_71] : memref<2x64x768xf32, #tpu.memory_space<vmem>> -> memref<1x64x768xf32, #tpu.memory_space<vmem>>
    %dma_wait3A_73 = tpu.memref_squeeze %dma_wait3A_72 : memref<1x64x768xf32, #tpu.memory_space<vmem>> -> memref<64x768xf32, #tpu.memory_space<vmem>>
    tpu.wait_dma2 semaphore(%arg9 : memref<!tpu.dma_semaphore, #tpu.memory_space<semaphore_mem>>) src(%dma_wait3A_73 : memref<64x768xf32, #tpu.memory_space<vmem>>) dst(%dma_wait3A_69 : memref<64x768xf32, #tpu.memory_space<hbm>>)
    %add3A_74 = arith.constant 960 : i32
    %add3A_75 = arith.addi %mul3A_32, %add3A_74 : i32
    %dma_wait3A_76 = arith.constant 1 : i32
    %dma_wait3A_77 = arith.constant 0 : i32
    %dma_wait3A_78 = arith.constant 0 : i32
    %dma_wait3A_79 = tpu.memref_slice %arg6[%dma_wait3A_76, %dma_wait3A_77, %dma_wait3A_78] : memref<2x64x768xf32, #tpu.memory_space<vmem>> -> memref<1x64x768xf32, #tpu.memory_space<vmem>>
    %dma_wait3A_80 = tpu.memref_squeeze %dma_wait3A_79 : memref<1x64x768xf32, #tpu.memory_space<vmem>> -> memref<64x768xf32, #tpu.memory_space<vmem>>
    %dma_wait3A_81 = arith.constant 0 : i32
    %dma_wait3A_82 = tpu.memref_slice %arg4[%select_n3A, %add3A_75, %dma_wait3A_81] : memref<4x8192x768xf32, #tpu.memory_space<hbm>> -> memref<1x64x768xf32, #tpu.memory_space<hbm>>
    %dma_wait3A_83 = tpu.memref_squeeze %dma_wait3A_82 : memref<1x64x768xf32, #tpu.memory_space<hbm>> -> memref<64x768xf32, #tpu.memory_space<hbm>>
    %dma_wait3A_84 = arith.constant 0 : i32
    %dma_wait3A_85 = tpu.memref_slice %arg4[%select_n3A, %add3A_75, %dma_wait3A_84] : memref<4x8192x768xf32, #tpu.memory_space<hbm>> -> memref<1x64x768xf32, #tpu.memory_space<hbm>>
    %dma_wait3A_86 = tpu.memref_squeeze %dma_wait3A_85 : memref<1x64x768xf32, #tpu.memory_space<hbm>> -> memref<64x768xf32, #tpu.memory_space<hbm>>
    %dma_wait3A_87 = arith.constant 0 : i32
    %dma_wait3A_88 = arith.constant 0 : i32
    %dma_wait3A_89 = tpu.memref_slice %arg6[%dma_wait3A_76, %dma_wait3A_87, %dma_wait3A_88] : memref<2x64x768xf32, #tpu.memory_space<vmem>> -> memref<1x64x768xf32, #tpu.memory_space<vmem>>
    %dma_wait3A_90 = tpu.memref_squeeze %dma_wait3A_89 : memref<1x64x768xf32, #tpu.memory_space<vmem>> -> memref<64x768xf32, #tpu.memory_space<vmem>>
    tpu.wait_dma2 semaphore(%arg10 : memref<!tpu.dma_semaphore, #tpu.memory_space<semaphore_mem>>) src(%dma_wait3A_90 : memref<64x768xf32, #tpu.memory_space<vmem>>) dst(%dma_wait3A_86 : memref<64x768xf32, #tpu.memory_space<hbm>>)
    return
  }
}

</mosaic_0001>

<sc_bundles>
// kernel: kernel.3.cloned.1.call-start
scs
__scs_entry_jumppad:
0x0: {  	(pc) =	sbr.rel $0x88, $3  }
0x1: {  	(tag) =	ssettag $0x0;
	lr =	simm.s32 $0x1  }
0x2: {  	[smem:$0x3F9F] =	sst lr;
	_ =	strace $0xD0000000  }
0x3: {  	_ = 	snop  }
0x4: {  	_ = 	snop  }
0x5: {  	_ = 	snop  }
0x6: {  	_ = 	snop  }
0x7: {  	_ = 	snop  }
__scs_overlays_trampoline_lowered:
0x8: {  	[smem:$0x3FAE] =	sst s0  }
0x9: {  	[smem:$0x3FAF] =	sst s1  }
0xa: {  	[smem:$0x3FB0] =	sst s2  }
0xb: {  	[smem:$0x3FB1] =	sst s3  }
0xc: {  	[smem:$0x3FB2] =	sst s4  }
0xd: {  	[smem:$0x3FB3] =	sst s5  }
0xe: {  	[smem:$0x3FB4] =	sst s6  }
0xf: {  	[smem:$0x3FB5] =	sst s7  }
0x10: {  	[smem:$0x3FB6] =	sst s8  }
0x11: {  	[smem:$0x3FB7] =	sst s9;
	s0 =	simm.s32 @!p0 $0x0  }
0x12: {  	s1 =	sld [smem:$0x3F9D];
	s0 =	simm.s32 @p0 $0x1  }
0x13: {  	[smem:$0x3FB8] =	sst s0;
	s0 =	simm.s32 @!p1 $0x0  }
0x14: {  	s2 =	sld [smem:$0x3F9C];
	s0 =	simm.s32 @p1 $0x1  }
0x15: {  	[smem:$0x3FB9] =	sst s0;
	s0 =	simm.s32 @!p2 $0x0  }
0x16: {  	s3 =	sld [smem:$0x3FDB];
	s0 =	simm.s32 @p2 $0x1  }
0x17: {  	s4 =	simm.s32 $0x1BF5;
	[smem:$0x3FBB] =	sst s0  }
0x18: {  	s0 =	sld [smem:$0x3F9E];
	_ =	swait.ge [sflag:s4], $0x0  }
0x19: {  	s7 =	sld [smem:$0x3F9F]  }
0x1a: {  	s8 =	sadd.s32 $0xFFFFE003, lr  }
0x1b: {  	s9 =	sadd.s32 $0xFFFFFEF7, lr;
	s5 =	simm.s32 $0xFFFFFFFF;
	p2 =	slt.u32 s8, $0xFFFFF086  }
0x1c: {  	p1 =	slt.u32 s9, $0xF7A;
	s5 =	simm.s32 @!p2 $0x0  }
0x1d: {  	s5 =	simm.s32 @p1 $0x1;
	p0 =	seq.s32 s7, s2  }
0x1e: {  	s7 =	smul.u32 @!p0 $0xF7A, s2;
	p2 =	seq.s32 @!p0 s5, $0x0  }
0x1f: {  	s9 =	smul.u32 $0xF7A, s1;
	s8 =	simm.s32 @!p0 $0x1BF5;
	p2 =	por !p2, p0  }
0x20: {  	[sflag:s8] =	ssyncset.s32 @!p0 $0xFFFFF086;
	s6 =	sadd.s32 @!p0 s3, s7;
	s7 =	simm.s32 @!p0 $0x108  }
0x21: {  	s3 =	sadd.s32 s3, s9;
	s6 =	sadd.s32 @!p0 $0x88, s6;
	s7 =	simm.s32 @p2 $0x1082  }
0x22: {  	[simem:s7], [sflag:s8] =	dma.local @!p0 [hbm:s6], $0xF7A  }
0x23: {  	s9 =	sor.u32 $0xD0000000, s2;
	s6 =	simm.s32 $0x108;
	_ =	swait.ge @!p0 [sflag:s8], $0x0  }
0x24: {  	s3 =	sadd.s32 $0x88, s3;
	s6 =	simm.s32 @!p1 $0x1082;
	[sflag:s4] =	ssyncset.s32 $0xFFFFF086  }
0x25: {  	[simem:s6], [sflag:s4] =	dma.local [hbm:s3], $0xF7A  }
0x26: {  	[smem:$0x3F9F] =	sst s1;
	(tag) =	ssettag s2;
	_ =	strace s9  }
0x27: {  	s1 =	sld [smem:$0x3FAF]  }
0x28: {  	s2 =	sld [smem:$0x3FB0]  }
0x29: {  	s4 =	sld [smem:$0x3FB2]  }
0x2a: {  	p0 =	seq.s32 s5, $0x0;
	s5 =	sld [smem:$0x3FB3]  }
0x2b: {  	s6 =	sld [smem:$0x3FB4]  }
0x2c: {  	s7 =	sld [smem:$0x3FB5]  }
0x2d: {  	s3 =	simm.s32 $0x108;
	s8 =	sld [smem:$0x3FB6]  }
0x2e: {  	s3 =	simm.s32 @!p0 $0x1082;
	s9 =	sld [smem:$0x3FB7]  }
0x2f: {  	lr =	sadd.s32 s0, s3;
	s0 =	sld [smem:$0x3FAE]  }
0x30: {  	s3 =	sld [smem:$0x3FB1]  }
0x31: {  	[smem:$0x3FBA] =	sst s10  }
0x32: {  	s10 =	sld [smem:$0x3FB8];
	_ =	sdelay $0x3  }
0x33: {  	p0 =	seq.s32 s10, $0x1;
	s10 =	sld [smem:$0x3FBA];
	_ =	sdelay $0x3  }
0x34: {  	[smem:$0x3FBA] =	sst s10  }
0x35: {  	s10 =	sld [smem:$0x3FB9];
	_ =	sdelay $0x3  }
0x36: {  	p1 =	seq.s32 s10, $0x1;
	s10 =	sld [smem:$0x3FBA];
	_ =	sdelay $0x3  }
0x37: {  	[smem:$0x3FBA] =	sst s10  }
0x38: {  	s10 =	sld [smem:$0x3FBB]  }
0x39: {  	_ = 	snop;
	(pc) =	sbr.ind lr, $3  }
0x3a: {  	_ = 	snop  }
0x3b: {  	_ = 	snop  }
0x3c: {  	p2 =	seq.s32 s10, $0x1;
	s10 =	sld [smem:$0x3FBA]  }
0x3d: {  	_ =	shalt  }
0x3e: {  	_ =	shalt  }
0x3f: {  	_ =	shalt  }
0x40: {  	_ =	shalt  }
0x41: {  	_ =	shalt  }
0x42: {  	_ =	shalt  }
0x43: {  	_ =	shalt  }
0x44: {  	_ =	shalt  }
0x45: {  	_ =	shalt  }
0x46: {  	_ =	shalt  }
0x47: {  	_ =	shalt  }
0x48: {  	_ =	shalt  }
0x49: {  	_ =	shalt  }
0x4a: {  	_ =	shalt  }
0x4b: {  	_ =	shalt  }
0x4c: {  	_ =	shalt  }
0x4d: {  	_ =	shalt  }
0x4e: {  	_ =	shalt  }
0x4f: {  	_ =	shalt  }
0x50: {  	_ =	shalt  }
0x51: {  	_ =	shalt  }
0x52: {  	_ =	shalt  }
0x53: {  	_ =	shalt  }
0x54: {  	_ =	shalt  }
0x55: {  	_ =	shalt  }
0x56: {  	_ =	shalt  }
0x57: {  	_ =	shalt  }
0x58: {  	_ =	shalt  }
0x59: {  	_ =	shalt  }
0x5a: {  	_ =	shalt  }
0x5b: {  	_ =	shalt  }
0x5c: {  	_ =	shalt  }
0x5d: {  	_ =	shalt  }
0x5e: {  	_ =	shalt  }
0x5f: {  	_ =	shalt  }
0x60: {  	_ =	shalt  }
0x61: {  	_ =	shalt  }
0x62: {  	_ =	shalt  }
0x63: {  	_ =	shalt  }
0x64: {  	_ =	shalt  }
0x65: {  	_ =	shalt  }
0x66: {  	_ =	shalt  }
0x67: {  	_ =	shalt  }
0x68: {  	_ =	shalt  }
0x69: {  	_ =	shalt  }
0x6a: {  	_ =	shalt  }
0x6b: {  	_ =	shalt  }
0x6c: {  	_ =	shalt  }
0x6d: {  	_ =	shalt  }
0x6e: {  	_ =	shalt  }
0x6f: {  	_ =	shalt  }
0x70: {  	_ =	shalt  }
0x71: {  	_ =	shalt  }
0x72: {  	_ =	shalt  }
0x73: {  	_ =	shalt  }
0x74: {  	_ =	shalt  }
0x75: {  	_ =	shalt  }
0x76: {  	_ =	shalt  }
0x77: {  	_ =	shalt  }
0x78: {  	_ =	shalt  }
0x79: {  	_ =	shalt  }
0x7a: {  	_ =	shalt  }
0x7b: {  	_ =	shalt  }
0x7c: {  	_ =	shalt  }
0x7d: {  	_ =	shalt  }
0x7e: {  	_ =	shalt  }
0x7f: {  	_ =	shalt  }
0x80: {  	_ =	shalt  }
0x81: {  	_ =	shalt  }
0x82: {  	_ =	shalt  }
0x83: {  	_ =	shalt  }
0x84: {  	_ =	shalt  }
0x85: {  	_ =	shalt  }
0x86: {  	_ =	shalt  }
0x87: {  	_ =	shalt  }
.Lfunc_end0:
.L_simem_size_0:
called_computation_lowered:
.L_overlay_start_0:
0x88: {  	s2 =	sld [smem:$0x3FD9]  }
0x89: {  	s3 =	sld [smem:$0x3FFE];
	_ =	sdelay $0x1  }
0x8a: {  	s1 =	srdreg.scid  }
0x8b: {  	s0 =	sand.u32 $0x1, s1  }
0x8c: {  	s18 =	sshll.u32 s0, $0xA;
	s2 =	sadd.s32 s3, s2  }
0x8d: {  	s2 =	sadd.s32 s2, s18  }
0x8e: {  	[smem:$0x3FC6] =	sst s2  }
0x8f: {  	_ = 	snop  }
0x90: {  	s2 =	sld [smem:$0x3FC9]  }
0x91: {  	s19 =	sld [smem:$0x3FC8]  }
0x92: {  	s4 =	sld [smem:$0x3FD0];
	(tm) =	ssettm $0x1  }
0x93: {  	s5 =	sld [smem:$0x3FFB];
	_ =	sdelay $0x3  }
0x94: {  	_ =	strace s5  }
0x95: {  	s5 =	sld [smem:$0x3FFC];
	_ =	sdelay $0x3  }
0x96: {  	_ =	strace s5  }
0x97: {  	s5 =	sld [smem:$0x3FFD];
	_ =	sdelay $0x3  }
0x98: {  	_ =	strace s5  }
0x99: {  	_ =	strace $0x8FFFFFFF  }
0x9a: {  	s20 =	sld [smem:$0x3FDB];
	_ =	sdelay $0x1  }
0x9b: {  	s6 =	simm.s32 $_scs_section_size  }
0x9c: {  	s7 =	simm.s32 $_size__tile_overlayer_lowered;
	s8 =	simm.s32 $_tile_overlayer_lowered  }
0x9d: {  	s23 =	simm.s32 $0x1BFF;
	s22 =	sshll.u32 s8, $0x1;
	s5 =	sadd.s32 s6, s20  }
0x9e: {  	s9 =	simm.s32 $0x0;
	s21 =	sshll.u32 s7, $0x1;
	s7 =	sadd.s32 s22, s5  }
0x9f: {  	[timem:s9], [sflag:s23] =	dma.local [hbm:s7], s21  }
0xa0: {  	_ =	swait.ge [sflag:s23], s21  }
0xa1: {  	s6 =	ssub.s32 $0x0, s21;
	[sflag:s23] =	ssyncset.done $0x0  }
0xa2: {  	[sflag:s23] =	ssyncadd.s32 s6;
	_ =	sdelay $0x1  }
0xa3: {  	s24 =	simm.s32 $0x1B8B  }
0xa4: {  	_ =	swait.ge [sflag:s24], $0x1  }
0xa5: {  	[sflag:s24] =	ssyncset.done $0x0  }
0xa6: {  	s25 =	simm.s32 $0x1B8E;
	[sflag:s24] =	ssyncadd.s32 $0xFFFFFFFF  }
0xa7: {  	s26 =	simm.s32 $execute0_lowered;
	[smem:$0x3FD2] =	sst s25  }
0xa8: {  	s6 =	sshll.u32 s26, $0x1;
	_ =	strace $0x80000046;
	[dreg:$0x1] =	wrdreg $0xFFFFFFFF  }
0xa9: {  	s28 =	simm.s32 $_size_execute0_lowered;
	s5 =	sadd.s32 s5, s6;
	[dreg:$0x0] =	wrdreg $0x0  }
0xaa: {  	s6 =	sshll.u32 s28, $0x1;
	[dreg:$0x2] =	wrdreg s5  }
0xab: {  	[dreg:$0x3] =	wrdreg s6  }
0xac: {  	[dreg:$0x4] =	wrdreg $0xC0  }
0xad: {  	_ =	task [dreg:s9], $0x5FFFF  }
0xae: {  	[dreg:$0x1] =	wrdreg $0xFFFFFFFF  }
0xaf: {  	[dreg:$0x0] =	wrdreg $0x60  }
0xb0: {  	[dreg:$0x2] =	wrdreg s2  }
0xb1: {  	[dreg:$0x3] =	wrdreg s19  }
0xb2: {  	[dreg:$0x4] =	wrdreg s4  }
0xb3: {  	[dreg:$0x5] =	wrdreg $0x9  }
0xb4: {  	_ =	task.clear_ibuf [dreg:s9], $0x6FFFF;
	_ =	strace $0x90000046  }
0xb5: {  	s29 =	simm.s32 $0x9;
	_ =	strace $0x80000048  }
0xb6: {  	_ =	swait.ge [sflag:s29], $0x1  }
0xb7: {  	[sflag:s29] =	ssyncadd.s32 $0xFFFFFFFF  }
0xb8: {  	_ =	strace $0x90000048  }
0xb9: {  	_ =	sfence  }
0xba: {  	s30 =	sld [smem:$0x0];
	_ =	sdelay $0x2  }
0xbb: {  	s31 =	sshll.u32 s1, $0xD;
	s1 =	sshrl.u32 s1, $0x2  }
0xbc: {  	s3 =	sand.u32 $0x4000, s31;
	s1 =	sadd.s32 s1, s30  }
0xbd: {  	s0 =	sor.u32 s3, s0;
	s1 =	sshll.u32 s1, $0x11  }
0xbe: {  	s0 =	sor.u32 s1, s0  }
0xbf: {  	s0 =	sadd.s32 $0x8F2B, s0  }
0xc0: {  	[sflag:s0] =	ssyncadd.remote.s32 $0x1  }
0xc1: {  	_ =	sfence.sel $0xFFFF  }
0xc2: {  	[dreg:$0x0] =	wrdreg $0xFFFFFFFF;
	(pc) =	sbr.abs _section_cstart, $3  }
0xc3: {  	[dreg:$0x1] =	wrdreg $0xFFFFFFFF  }
0xc4: {  	_ =	task.clear_ibuf [dreg:s9], $0x2FFFF;
	_ =	strace $0x9FFFFFFF  }
0xc5: {  	(tm) =	ssettm $0x7FFFFFFF  }
tec
execute0_lowered:
.L_overlay_start_1:
0x0: {  	(tag) =	ssettag $0x1  }
0x1: {  	s0 =	rddreg [dreg:$0x0]  }
0x2: {  	s1 =	rddreg [dreg:$0x1]  }
0x3: {  	s10 =	rddreg [dreg:$0x2];
	s3 =	simm.s32 $0x0;
	s2 =	srdreg.scid  }
0x4: {  	s9 =	stileid.u32;
	s28 =	simm.s32 $0x4C00;
	s30 =	simm.s32 $0x5400  }
0x5: {  	s12 =	simm.s32 $0x6C00;
	s13 =	simm.s32 $0x7400;
	s31 =	simm.s32 $0x9C00  }
0x6: {  	s29 =	simm.s32 $0xC400;
	s11 =	simm.s32 $0x3;
	s14 =	simm.s32 $0x2  }
0x7: {  	[smem:$0x7FF] =	sst s3;
	s2 =	sand.u32 $0x1, s2;
	s6 =	sshll.u32 s9, $0x1  }
0x8: {  	s7 =	sand.u32 $0x3, s9;
	s16 =	sshrl.u32 s9, $0x2;
	_ =	strace $0x80000047  }
0x9: {  	s4 =	ssub.s32 $0x2, s2;
	s6 =	sand.u32 $0x6, s6;
	s7 =	sshll.u32 s7, $0xB  }
0xa: {  	s8 =	sshll.u32 s2, $0xA;
	s18 =	sshll.u32 s16, $0x4;
	s9 =	smul.u32 $0x600000, s16  }
0xb: {  	s5 =	sshrl.u32 s4, $0x1;
	s2 =	sor.u32 s2, s6;
	s15 =	sor.u32 s8, s7  }
0xc: {  	s0 =	sadd.s32 s0, s18;
	s6 =	sadd.s32 $0x100, s1;
	s7 =	sadd.s32 $0x200, s1  }
0xd: {  	s8 =	simm.s32 $0x9400;
	s4 =	ssub.s32 s4, s5;
	s17 =	sshll.u32 s2, $0xA  }
0xe: {  	s5 =	sor.u32 $0x80, s15;
	s19 =	sshll.u32 s2, $0x9;
	s20 =	smul.u32 $0xC0000, s2  }
0xf: {  	s23 =	sor.u32 $0xC000, s9;
	s15 =	simm.s32 $0x8C00;
	[dreg:$0x4] =	wrdreg s17  }
0x10: {  	s5 =	sshrl.u32 s5, $0x3;
	s0 =	sadd.s32 s19, s0;
	[dreg:$0x5] =	wrdreg s23  }
0x11: {  	s22 =	smax.u32 s4, $0x1;
	s19 =	simm.s32 $0x1400;
	[dreg:$0x7] =	wrdreg s0  }
0x12: {  	s23 =	simm.s32 $0x2C00;
	s17 =	simm.s32 $0x0;
	[dreg:$0x9] =	wrdreg s22  }
0x13: {  	s5 =	smul.u32 $0x1800, s5;
	[dreg:$0x8] =	wrdreg s20;
	s25 =	sadd.s32 s9, s20  }
0x14: {  	s20 =	simm.s32 $0xC00;
	s22 =	simm.s32 $0x2400;
	s2 =	sshrl.u32 s25, $0x3  }
0x15: {  	s25 =	simm.s32 $0x3C00;
	s21 =	sadd.s32 s5, s9;
	s2 =	sadd.s32 s10, s2  }
0x16: {  	s5 =	simm.s32 $0x7C00;
	s9 =	simm.s32 $0x8400;
	s24 =	sadd.s32 $0xC000, s21  }
0x17: {  	s0 =	sshrl.u32 s21, $0x3;
	[dreg:$0xa] =	wrdreg s2;
	s21 =	simm.s32 $0x1C00  }
0x18: {  	s2 =	simm.s32 $0x4;
	s4 =	sshrl.u32 s24, $0x3;
	s0 =	sadd.s32 s0, s10  }
0x19: {  	v2 =	vlaneseq.u32;
	s24 =	simm.s32 $0x3400;
	s4 =	sadd.s32 s4, s10;
	[dreg:$0x6] =	wrdreg s0  }
0x1a: {  	vm0 =	vmmov $0xffff;
	v1 =	vshrl.u32 v2, $0x3;
	s0 =	simm.s32 $0x5C00;
	s10 =	simm.s32 $0x1;
	s26 =	sadd.s32 $0xFFFFD000, s4  }
0x1b: {  	v0 =	vand.u32 $0x7, v2;
	v2 =	vor.u32 $0x8, v2;
	v1 =	vmul.u32 $0x8, v1;
	s4 =	simm.s32 $0x6400;
	[dreg:$0xb] =	wrdreg s26;
	s26 =	simm.s32 $0x4400  }
.LBB2_1:
0x1c: {  	[dreg:$0xc] =	wrdreg s17  }
0x1d: {  	s16 =	rddreg [dreg:$0x7];
	s17 =	simm.s32 $0x80;
	s18 =	simm.s32 $0x200  }
0x1e: {  	[tilespmem:s3], [sflag:$0x5] =	stream.strided.gather [hbm4b:s16+s17], $0x400, s18, s17, $0x38;
	[tilespmem:$0x18400] =	vst v63  }
0x1f: {  	s17 =	simm.s32 $0x5  }
0x20: {  	_ =	swait.ge [sflag:s17], $0x400  }
0x21: {  	[sflag:s17] =	ssyncset.done $0x0  }
0x22: {  	[sflag:s17] =	ssyncadd.s32 $0xFFFFFC00  }
0x23: {  	v3 =	vld [tilespmem:$0x0];
	_ =	sdelay $0x4  }
0x24: {  	v4 =	vshrl.u32 v3, $0x3  }
0x25: {  	v4 =	vmul.u32 $0x30, v4  }
0x26: {  	v3 =	vand.u32 $0x7, v3  }
0x27: {  	v3 =	vor.u32 v3, v4  }
0x28: {  	v4 =	vperm.xlane v3, v0;
	_ =	sdelay $0x1  }
0x29: {  	v4 =	vadd.s32 v1, v4;
	_ =	sdelay $0x3  }
0x2a: {  	s18 =	simm.s32 $0x400;
	v3 =	vperm.xlane v3, v2  }
0x2b: {  	[tilespmem:s18], [sflag:$0x1] =	stream.indirect_vreg.gather [hbm4b:s1+s3], $0x80, v4, vm0, $0xb8;
	[tilespmem:$0x18400] =	vst v63  }
0x2c: {  	v3 =	vadd.s32 v1, v3  }
0x2d: {  	[tilespmem:s20], [sflag:$0x1] =	stream.indirect_vreg.gather [hbm4b:s6+s3], $0x80, v4, vm0, $0xb8;
	[tilespmem:$0x18400] =	vst v63  }
0x2e: {  	_ = 	snop  }
0x2f: {  	[tilespmem:s19], [sflag:$0x1] =	stream.indirect_vreg.gather [hbm4b:s7+s3], $0x80, v4, vm0, $0xb8;
	[tilespmem:$0x18400] =	vst v63  }
0x30: {  	_ = 	snop  }
0x31: {  	[tilespmem:s21], [sflag:$0x1] =	stream.indirect_vreg.gather [hbm4b:s1+s3], $0x80, v3, vm0, $0xb8;
	[tilespmem:$0x18400] =	vst v63  }
0x32: {  	_ = 	snop  }
0x33: {  	[tilespmem:s22], [sflag:$0x1] =	stream.indirect_vreg.gather [hbm4b:s6+s3], $0x80, v3, vm0, $0xb8;
	[tilespmem:$0x18400] =	vst v63  }
0x34: {  	_ = 	snop  }
0x35: {  	[tilespmem:s23], [sflag:$0x1] =	stream.indirect_vreg.gather [hbm4b:s7+s3], $0x80, v3, vm0, $0xb8;
	[tilespmem:$0x18400] =	vst v63  }
0x36: {  	v3 =	vld [tilespmem:$0x10];
	_ =	sdelay $0x4  }
0x37: {  	v57 =	vshrl.u32 v3, $0x3  }
0x38: {  	v4 =	vmul.u32 $0x30, v57  }
0x39: {  	v3 =	vand.u32 $0x7, v3  }
0x3a: {  	v3 =	vor.u32 v3, v4  }
0x3b: {  	v4 =	vperm.xlane v3, v0;
	_ =	sdelay $0x1  }
0x3c: {  	v4 =	vadd.s32 v1, v4;
	_ =	sdelay $0x3  }
0x3d: {  	v3 =	vperm.xlane v3, v2  }
0x3e: {  	[tilespmem:s24], [sflag:$0x1] =	stream.indirect_vreg.gather [hbm4b:s1+s3], $0x80, v4, vm0, $0xb8;
	[tilespmem:$0x18400] =	vst v63  }
0x3f: {  	v3 =	vadd.s32 v1, v3  }
0x40: {  	[tilespmem:s25], [sflag:$0x1] =	stream.indirect_vreg.gather [hbm4b:s6+s3], $0x80, v4, vm0, $0xb8;
	[tilespmem:$0x18400] =	vst v63  }
0x41: {  	_ = 	snop  }
0x42: {  	[tilespmem:s26], [sflag:$0x1] =	stream.indirect_vreg.gather [hbm4b:s7+s3], $0x80, v4, vm0, $0xb8;
	[tilespmem:$0x18400] =	vst v63  }
0x43: {  	_ = 	snop  }
0x44: {  	[tilespmem:s28], [sflag:$0x1] =	stream.indirect_vreg.gather [hbm4b:s1+s3], $0x80, v3, vm0, $0xb8;
	[tilespmem:$0x18400] =	vst v63  }
0x45: {  	_ = 	snop  }
0x46: {  	[tilespmem:s30], [sflag:$0x1] =	stream.indirect_vreg.gather [hbm4b:s6+s3], $0x80, v3, vm0, $0xb8;
	[tilespmem:$0x18400] =	vst v63  }
0x47: {  	_ = 	snop  }
0x48: {  	[tilespmem:s0], [sflag:$0x1] =	stream.indirect_vreg.gather [hbm4b:s7+s3], $0x80, v3, vm0, $0xb8;
	[tilespmem:$0x18400] =	vst v63  }
0x49: {  	v3 =	vld [tilespmem:$0x20];
	_ =	sdelay $0x4  }
0x4a: {  	v58 =	vshrl.u32 v3, $0x3  }
0x4b: {  	v4 =	vmul.u32 $0x30, v58  }
0x4c: {  	v3 =	vand.u32 $0x7, v3  }
0x4d: {  	v3 =	vor.u32 v3, v4  }
0x4e: {  	v4 =	vperm.xlane v3, v0;
	_ =	sdelay $0x1  }
0x4f: {  	v4 =	vadd.s32 v1, v4;
	_ =	sdelay $0x3  }
0x50: {  	v3 =	vperm.xlane v3, v2  }
0x51: {  	[tilespmem:s4], [sflag:$0x1] =	stream.indirect_vreg.gather [hbm4b:s1+s3], $0x80, v4, vm0, $0xb8;
	[tilespmem:$0x18400] =	vst v63  }
0x52: {  	v3 =	vadd.s32 v1, v3  }
0x53: {  	[tilespmem:s12], [sflag:$0x1] =	stream.indirect_vreg.gather [hbm4b:s6+s3], $0x80, v4, vm0, $0xb8;
	[tilespmem:$0x18400] =	vst v63  }
0x54: {  	_ = 	snop  }
0x55: {  	[tilespmem:s13], [sflag:$0x1] =	stream.indirect_vreg.gather [hbm4b:s7+s3], $0x80, v4, vm0, $0xb8;
	[tilespmem:$0x18400] =	vst v63  }
0x56: {  	_ = 	snop  }
0x57: {  	[tilespmem:s5], [sflag:$0x1] =	stream.indirect_vreg.gather [hbm4b:s1+s3], $0x80, v3, vm0, $0xb8;
	[tilespmem:$0x18400] =	vst v63  }
0x58: {  	_ = 	snop  }
0x59: {  	[tilespmem:s9], [sflag:$0x1] =	stream.indirect_vreg.gather [hbm4b:s6+s3], $0x80, v3, vm0, $0xb8;
	[tilespmem:$0x18400] =	vst v63  }
0x5a: {  	_ = 	snop  }
0x5b: {  	[tilespmem:s15], [sflag:$0x1] =	stream.indirect_vreg.gather [hbm4b:s7+s3], $0x80, v3, vm0, $0xb8;
	[tilespmem:$0x18400] =	vst v63  }
0x5c: {  	v3 =	vld [tilespmem:$0x30];
	_ =	sdelay $0x4  }
0x5d: {  	v59 =	vshrl.u32 v3, $0x3  }
0x5e: {  	v4 =	vmul.u32 $0x30, v59  }
0x5f: {  	v3 =	vand.u32 $0x7, v3  }
0x60: {  	v3 =	vor.u32 v3, v4  }
0x61: {  	v4 =	vperm.xlane v3, v0;
	_ =	sdelay $0x1  }
0x62: {  	v4 =	vadd.s32 v1, v4;
	_ =	sdelay $0x3  }
0x63: {  	v3 =	vperm.xlane v3, v2  }
0x64: {  	[tilespmem:s8], [sflag:$0x1] =	stream.indirect_vreg.gather [hbm4b:s1+s3], $0x80, v4, vm0, $0xb8;
	[tilespmem:$0x18400] =	vst v63  }
0x65: {  	v3 =	vadd.s32 v1, v3  }
0x66: {  	[tilespmem:s31], [sflag:$0x1] =	stream.indirect_vreg.gather [hbm4b:s6+s3], $0x80, v4, vm0, $0xb8;
	[tilespmem:$0x18400] =	vst v63  }
0x67: {  	s15 =	simm.s32 $0xA400  }
0x68: {  	[tilespmem:s15], [sflag:$0x1] =	stream.indirect_vreg.gather [hbm4b:s7+s3], $0x80, v4, vm0, $0xb8;
	[tilespmem:$0x18400] =	vst v63  }
0x69: {  	s16 =	simm.s32 $0xAC00  }
0x6a: {  	[tilespmem:s16], [sflag:$0x1] =	stream.indirect_vreg.gather [hbm4b:s1+s3], $0x80, v3, vm0, $0xb8;
	[tilespmem:$0x18400] =	vst v63  }
0x6b: {  	s18 =	simm.s32 $0xB400  }
0x6c: {  	[tilespmem:s18], [sflag:$0x1] =	stream.indirect_vreg.gather [hbm4b:s6+s3], $0x80, v3, vm0, $0xb8;
	[tilespmem:$0x18400] =	vst v63  }
0x6d: {  	s19 =	simm.s32 $0xBC00  }
0x6e: {  	[tilespmem:s19], [sflag:$0x1] =	stream.indirect_vreg.gather [hbm4b:s7+s3], $0x80, v3, vm0, $0xb8;
	[tilespmem:$0x18400] =	vst v63  }
0x6f: {  	v3 =	vld [tilespmem:$0x40];
	_ =	sdelay $0x4  }
0x70: {  	v60 =	vshrl.u32 v3, $0x3  }
0x71: {  	v4 =	vmul.u32 $0x30, v60  }
0x72: {  	v3 =	vand.u32 $0x7, v3  }
0x73: {  	v3 =	vor.u32 v3, v4  }
0x74: {  	v4 =	vperm.xlane v3, v0;
	_ =	sdelay $0x1  }
0x75: {  	v4 =	vadd.s32 v1, v4;
	_ =	sdelay $0x3  }
0x76: {  	v3 =	vperm.xlane v3, v2  }
0x77: {  	[tilespmem:s29], [sflag:$0x2] =	stream.indirect_vreg.gather [hbm4b:s1+s3], $0x80, v4, vm0, $0xb8;
	[tilespmem:$0x18400] =	vst v63  }
0x78: {  	s21 =	simm.s32 $0xCC00;
	v3 =	vadd.s32 v1, v3  }
0x79: {  	[tilespmem:s21], [sflag:$0x2] =	stream.indirect_vreg.gather [hbm4b:s6+s3], $0x80, v4, vm0, $0xb8;
	[tilespmem:$0x18400] =	vst v63  }
0x7a: {  	s22 =	simm.s32 $0xD400  }
0x7b: {  	[tilespmem:s22], [sflag:$0x2] =	stream.indirect_vreg.gather [hbm4b:s7+s3], $0x80, v4, vm0, $0xb8;
	[tilespmem:$0x18400] =	vst v63  }
0x7c: {  	s23 =	simm.s32 $0xDC00  }
0x7d: {  	[tilespmem:s23], [sflag:$0x2] =	stream.indirect_vreg.gather [hbm4b:s1+s3], $0x80, v3, vm0, $0xb8;
	[tilespmem:$0x18400] =	vst v63  }
0x7e: {  	s24 =	simm.s32 $0xE400  }
0x7f: {  	[tilespmem:s24], [sflag:$0x2] =	stream.indirect_vreg.gather [hbm4b:s6+s3], $0x80, v3, vm0, $0xb8;
	[tilespmem:$0x18400] =	vst v63  }
0x80: {  	s25 =	simm.s32 $0xEC00  }
0x81: {  	[tilespmem:s25], [sflag:$0x2] =	stream.indirect_vreg.gather [hbm4b:s7+s3], $0x80, v3, vm0, $0xb8;
	[tilespmem:$0x18400] =	vst v63  }
0x82: {  	v3 =	vld [tilespmem:$0x50];
	_ =	sdelay $0x4  }
0x83: {  	v61 =	vshrl.u32 v3, $0x3  }
0x84: {  	v4 =	vmul.u32 $0x30, v61  }
0x85: {  	v3 =	vand.u32 $0x7, v3  }
0x86: {  	v3 =	vor.u32 v3, v4  }
0x87: {  	v4 =	vperm.xlane v3, v0;
	_ =	sdelay $0x1  }
0x88: {  	v4 =	vadd.s32 v1, v4;
	_ =	sdelay $0x3  }
0x89: {  	s26 =	simm.s32 $0xF400;
	v3 =	vperm.xlane v3, v2  }
0x8a: {  	[tilespmem:s26], [sflag:$0x2] =	stream.indirect_vreg.gather [hbm4b:s1+s3], $0x80, v4, vm0, $0xb8;
	[tilespmem:$0x18400] =	vst v63  }
0x8b: {  	s29 =	simm.s32 $0xFC00;
	v3 =	vadd.s32 v1, v3  }
0x8c: {  	[tilespmem:s29], [sflag:$0x2] =	stream.indirect_vreg.gather [hbm4b:s6+s3], $0x80, v4, vm0, $0xb8;
	[tilespmem:$0x18400] =	vst v63  }
0x8d: {  	s4 =	simm.s32 $0x10400  }
0x8e: {  	[tilespmem:s4], [sflag:$0x2] =	stream.indirect_vreg.gather [hbm4b:s7+s3], $0x80, v4, vm0, $0xb8;
	[tilespmem:$0x18400] =	vst v63  }
0x8f: {  	s5 =	simm.s32 $0x10C00  }
0x90: {  	[tilespmem:s5], [sflag:$0x2] =	stream.indirect_vreg.gather [hbm4b:s1+s3], $0x80, v3, vm0, $0xb8;
	[tilespmem:$0x18400] =	vst v63  }
0x91: {  	s8 =	simm.s32 $0x11400  }
0x92: {  	[tilespmem:s8], [sflag:$0x2] =	stream.indirect_vreg.gather [hbm4b:s6+s3], $0x80, v3, vm0, $0xb8;
	[tilespmem:$0x18400] =	vst v63  }
0x93: {  	s9 =	simm.s32 $0x11C00  }
0x94: {  	[tilespmem:s9], [sflag:$0x2] =	stream.indirect_vreg.gather [hbm4b:s7+s3], $0x80, v3, vm0, $0xb8;
	[tilespmem:$0x18400] =	vst v63  }
0x95: {  	v3 =	vld [tilespmem:$0x60];
	_ =	sdelay $0x4  }
0x96: {  	v62 =	vshrl.u32 v3, $0x3  }
0x97: {  	v4 =	vmul.u32 $0x30, v62  }
0x98: {  	v3 =	vand.u32 $0x7, v3  }
0x99: {  	v3 =	vor.u32 v3, v4  }
0x9a: {  	v4 =	vperm.xlane v3, v0;
	_ =	sdelay $0x1  }
0x9b: {  	v4 =	vadd.s32 v1, v4;
	_ =	sdelay $0x3  }
0x9c: {  	s12 =	simm.s32 $0x12400;
	v3 =	vperm.xlane v3, v2  }
0x9d: {  	[tilespmem:s12], [sflag:$0x2] =	stream.indirect_vreg.gather [hbm4b:s1+s3], $0x80, v4, vm0, $0xb8;
	[tilespmem:$0x18400] =	vst v63  }
0x9e: {  	s13 =	simm.s32 $0x12C00;
	v3 =	vadd.s32 v1, v3  }
0x9f: {  	[tilespmem:s13], [sflag:$0x2] =	stream.indirect_vreg.gather [hbm4b:s6+s3], $0x80, v4, vm0, $0xb8;
	[tilespmem:$0x18400] =	vst v63  }
0xa0: {  	s15 =	simm.s32 $0x13400  }
0xa1: {  	[tilespmem:s15], [sflag:$0x2] =	stream.indirect_vreg.gather [hbm4b:s7+s3], $0x80, v4, vm0, $0xb8;
	[tilespmem:$0x18400] =	vst v63  }
0xa2: {  	s16 =	simm.s32 $0x13C00  }
0xa3: {  	[tilespmem:s16], [sflag:$0x2] =	stream.indirect_vreg.gather [hbm4b:s1+s3], $0x80, v3, vm0, $0xb8;
	[tilespmem:$0x18400] =	vst v63  }
0xa4: {  	s18 =	simm.s32 $0x14400  }
0xa5: {  	[tilespmem:s18], [sflag:$0x2] =	stream.indirect_vreg.gather [hbm4b:s6+s3], $0x80, v3, vm0, $0xb8;
	[tilespmem:$0x18400] =	vst v63  }
0xa6: {  	s19 =	simm.s32 $0x14C00  }
0xa7: {  	[tilespmem:s19], [sflag:$0x2] =	stream.indirect_vreg.gather [hbm4b:s7+s3], $0x80, v3, vm0, $0xb8;
	[tilespmem:$0x18400] =	vst v63  }
0xa8: {  	v3 =	vld [tilespmem:$0x70];
	_ =	sdelay $0x4  }
0xa9: {  	v63 =	vshrl.u32 v3, $0x3  }
0xaa: {  	v4 =	vmul.u32 $0x30, v63  }
0xab: {  	v3 =	vand.u32 $0x7, v3  }
0xac: {  	v3 =	vor.u32 v3, v4  }
0xad: {  	v4 =	vperm.xlane v3, v0;
	_ =	sdelay $0x1  }
0xae: {  	v4 =	vadd.s32 v1, v4;
	_ =	sdelay $0x2  }
0xaf: {  	s17 =	simm.s32 $0x400;
	s28 =	simm.s32 $0x3C00  }
0xb0: {  	s30 =	simm.s32 $0x4C00;
	s0 =	simm.s32 $0x5C00;
	s21 =	simm.s32 $0x15400;
	v3 =	vperm.xlane v3, v2  }
0xb1: {  	[tilespmem:s21], [sflag:$0x2] =	stream.indirect_vreg.gather [hbm4b:s1+s3], $0x80, v4, vm0, $0xb8;
	[tilespmem:$0x18400] =	vst v63  }
0xb2: {  	s31 =	simm.s32 $0x5400;
	s22 =	simm.s32 $0x15C00;
	s23 =	simm.s32 $0x16400;
	v3 =	vadd.s32 v1, v3  }
0xb3: {  	[tilespmem:s22], [sflag:$0x2] =	stream.indirect_vreg.gather [hbm4b:s6+s3], $0x80, v4, vm0, $0xb8;
	[tilespmem:$0x18400] =	vst v63  }
0xb4: {  	s24 =	simm.s32 $0x16C00;
	s25 =	simm.s32 $0x17400;
	s26 =	simm.s32 $0x17C00  }
0xb5: {  	[tilespmem:s23], [sflag:$0x2] =	stream.indirect_vreg.gather [hbm4b:s7+s3], $0x80, v4, vm0, $0xb8;
	[tilespmem:$0x18400] =	vst v63  }
0xb6: {  	s4 =	simm.s32 $0x6400;
	s5 =	simm.s32 $0x7C00;
	s8 =	simm.s32 $0x400  }
0xb7: {  	[tilespmem:s24], [sflag:$0x2] =	stream.indirect_vreg.gather [hbm4b:s1+s3], $0x80, v3, vm0, $0xb8;
	[tilespmem:$0x18400] =	vst v63  }
0xb8: {  	s9 =	simm.s32 $0x8400;
	s12 =	simm.s32 $0x6C00;
	s13 =	simm.s32 $0x7400  }
0xb9: {  	[tilespmem:s25], [sflag:$0x2] =	stream.indirect_vreg.gather [hbm4b:s6+s3], $0x80, v3, vm0, $0xb8;
	[tilespmem:$0x18400] =	vst v63  }
0xba: {  	s15 =	simm.s32 $0x8C00;
	s16 =	simm.s32 $0x0;
	s18 =	simm.s32 $0x0  }
0xbb: {  	[tilespmem:s26], [sflag:$0x2] =	stream.indirect_vreg.gather [hbm4b:s7+s3], $0x80, v3, vm0, $0xb8;
	[tilespmem:$0x18400] =	vst v63  }
0xbc: {  	s22 =	simm.s32 $0x1400;
	s23 =	simm.s32 $0x1C00;
	_ =	swait.ge [sflag:s10], $0xC000  }
0xbd: {  	s24 =	simm.s32 $0x9400;
	[sflag:s10] =	ssyncset.done $0x0;
	s29 =	rddreg [dreg:$0xa]  }
0xbe: {  	s25 =	simm.s32 $0x2C00;
	s19 =	rddreg [dreg:$0x8];
	[sflag:s10] =	ssyncadd.s32 $0xFFFF4000  }
0xbf: {  	[hbm4b:s29+s3] =	stream.linear.scatter [tilespmem:s17], [sflag:$0x3], $0xC000, $0x38;
	[tilespmem:$0x18400] =	vst v63  }
0xc0: {  	s26 =	simm.s32 $0x3400;
	s17 =	simm.s32 $0xF0;
	s21 =	rddreg [dreg:$0x2]  }
.LBB2_2:
0xc1: {  	_ =	swait.ge [sflag:s11], $0xC000  }
0xc2: {  	[sflag:s11] =	ssyncset.done $0x0  }
0xc3: {  	[sflag:s11] =	ssyncadd.s32 $0xFFFF4000  }
0xc4: {  	v3 =	vld [tilespmem:s17+$0xFFFFFF90];
	_ =	sdelay $0x4  }
0xc5: {  	v4 =	vshrl.u32 v3, $0x3  }
0xc6: {  	v4 =	vmul.u32 $0x30, v4  }
0xc7: {  	v3 =	vand.u32 $0x7, v3  }
0xc8: {  	v3 =	vor.u32 v3, v4  }
0xc9: {  	v4 =	vperm.xlane v3, v0;
	_ =	sdelay $0x1  }
0xca: {  	v4 =	vadd.s32 v1, v4;
	_ =	sdelay $0x3  }
0xcb: {  	v3 =	vperm.xlane v3, v2  }
0xcc: {  	[tilespmem:s8], [sflag:$0x1] =	stream.indirect_vreg.gather [hbm4b:s1+s3], $0x80, v4, vm0, $0xb8;
	[tilespmem:$0x18400] =	vst v63  }
0xcd: {  	v3 =	vadd.s32 v1, v3  }
0xce: {  	[tilespmem:s20], [sflag:$0x1] =	stream.indirect_vreg.gather [hbm4b:s6+s3], $0x80, v4, vm0, $0xb8;
	[tilespmem:$0x18400] =	vst v63  }
0xcf: {  	_ = 	snop  }
0xd0: {  	[tilespmem:s22], [sflag:$0x1] =	stream.indirect_vreg.gather [hbm4b:s7+s3], $0x80, v4, vm0, $0xb8;
	[tilespmem:$0x18400] =	vst v63  }
0xd1: {  	_ = 	snop  }
0xd2: {  	[tilespmem:s23], [sflag:$0x1] =	stream.indirect_vreg.gather [hbm4b:s1+s3], $0x80, v3, vm0, $0xb8;
	[tilespmem:$0x18400] =	vst v63  }
0xd3: {  	s20 =	simm.s32 $0x2400  }
0xd4: {  	[tilespmem:s20], [sflag:$0x1] =	stream.indirect_vreg.gather [hbm4b:s6+s3], $0x80, v3, vm0, $0xb8;
	[tilespmem:$0x18400] =	vst v63  }
0xd5: {  	_ = 	snop  }
0xd6: {  	[tilespmem:s25], [sflag:$0x1] =	stream.indirect_vreg.gather [hbm4b:s7+s3], $0x80, v3, vm0, $0xb8;
	[tilespmem:$0x18400] =	vst v63  }
0xd7: {  	v3 =	vld [tilespmem:s17+$0xFFFFFFA0];
	_ =	sdelay $0x4  }
0xd8: {  	v57 =	vshrl.u32 v3, $0x3  }
0xd9: {  	v4 =	vmul.u32 $0x30, v57  }
0xda: {  	v3 =	vand.u32 $0x7, v3  }
0xdb: {  	v3 =	vor.u32 v3, v4  }
0xdc: {  	v4 =	vperm.xlane v3, v0;
	_ =	sdelay $0x1  }
0xdd: {  	v4 =	vadd.s32 v1, v4;
	_ =	sdelay $0x3  }
0xde: {  	v3 =	vperm.xlane v3, v2  }
0xdf: {  	[tilespmem:s26], [sflag:$0x1] =	stream.indirect_vreg.gather [hbm4b:s1+s3], $0x80, v4, vm0, $0xb8;
	[tilespmem:$0x18400] =	vst v63  }
0xe0: {  	v3 =	vadd.s32 v1, v3  }
0xe1: {  	[tilespmem:s28], [sflag:$0x1] =	stream.indirect_vreg.gather [hbm4b:s6+s3], $0x80, v4, vm0, $0xb8;
	[tilespmem:$0x18400] =	vst v63  }
0xe2: {  	s20 =	simm.s32 $0x4400  }
0xe3: {  	[tilespmem:s20], [sflag:$0x1] =	stream.indirect_vreg.gather [hbm4b:s7+s3], $0x80, v4, vm0, $0xb8;
	[tilespmem:$0x18400] =	vst v63  }
0xe4: {  	_ = 	snop  }
0xe5: {  	[tilespmem:s30], [sflag:$0x1] =	stream.indirect_vreg.gather [hbm4b:s1+s3], $0x80, v3, vm0, $0xb8;
	[tilespmem:$0x18400] =	vst v63  }
0xe6: {  	_ = 	snop  }
0xe7: {  	[tilespmem:s31], [sflag:$0x1] =	stream.indirect_vreg.gather [hbm4b:s6+s3], $0x80, v3, vm0, $0xb8;
	[tilespmem:$0x18400] =	vst v63  }
0xe8: {  	_ = 	snop  }
0xe9: {  	[tilespmem:s0], [sflag:$0x1] =	stream.indirect_vreg.gather [hbm4b:s7+s3], $0x80, v3, vm0, $0xb8;
	[tilespmem:$0x18400] =	vst v63  }
0xea: {  	v3 =	vld [tilespmem:s17+$0xFFFFFFB0];
	_ =	sdelay $0x4  }
0xeb: {  	v58 =	vshrl.u32 v3, $0x3  }
0xec: {  	v4 =	vmul.u32 $0x30, v58  }
0xed: {  	v3 =	vand.u32 $0x7, v3  }
0xee: {  	v3 =	vor.u32 v3, v4  }
0xef: {  	v4 =	vperm.xlane v3, v0;
	_ =	sdelay $0x1  }
0xf0: {  	v4 =	vadd.s32 v1, v4;
	_ =	sdelay $0x3  }
0xf1: {  	v3 =	vperm.xlane v3, v2  }
0xf2: {  	[tilespmem:s4], [sflag:$0x1] =	stream.indirect_vreg.gather [hbm4b:s1+s3], $0x80, v4, vm0, $0xb8;
	[tilespmem:$0x18400] =	vst v63  }
0xf3: {  	v3 =	vadd.s32 v1, v3  }
0xf4: {  	[tilespmem:s12], [sflag:$0x1] =	stream.indirect_vreg.gather [hbm4b:s6+s3], $0x80, v4, vm0, $0xb8;
	[tilespmem:$0x18400] =	vst v63  }
0xf5: {  	_ = 	snop  }
0xf6: {  	[tilespmem:s13], [sflag:$0x1] =	stream.indirect_vreg.gather [hbm4b:s7+s3], $0x80, v4, vm0, $0xb8;
	[tilespmem:$0x18400] =	vst v63  }
0xf7: {  	_ = 	snop  }
0xf8: {  	[tilespmem:s5], [sflag:$0x1] =	stream.indirect_vreg.gather [hbm4b:s1+s3], $0x80, v3, vm0, $0xb8;
	[tilespmem:$0x18400] =	vst v63  }
0xf9: {  	_ = 	snop  }
0xfa: {  	[tilespmem:s9], [sflag:$0x1] =	stream.indirect_vreg.gather [hbm4b:s6+s3], $0x80, v3, vm0, $0xb8;
	[tilespmem:$0x18400] =	vst v63  }
0xfb: {  	_ = 	snop  }
0xfc: {  	[tilespmem:s15], [sflag:$0x1] =	stream.indirect_vreg.gather [hbm4b:s7+s3], $0x80, v3, vm0, $0xb8;
	[tilespmem:$0x18400] =	vst v63  }
0xfd: {  	v3 =	vld [tilespmem:s17+$0xFFFFFFC0];
	_ =	sdelay $0x4  }
0xfe: {  	v59 =	vshrl.u32 v3, $0x3  }
0xff: {  	v4 =	vmul.u32 $0x30, v59  }
0x100: {  	v3 =	vand.u32 $0x7, v3  }
0x101: {  	v3 =	vor.u32 v3, v4  }
0x102: {  	v4 =	vperm.xlane v3, v0;
	_ =	sdelay $0x1  }
0x103: {  	v4 =	vadd.s32 v1, v4;
	_ =	sdelay $0x3  }
0x104: {  	v3 =	vperm.xlane v3, v2  }
0x105: {  	[tilespmem:s24], [sflag:$0x1] =	stream.indirect_vreg.gather [hbm4b:s1+s3], $0x80, v4, vm0, $0xb8;
	[tilespmem:$0x18400] =	vst v63  }
0x106: {  	s20 =	simm.s32 $0x9C00;
	v3 =	vadd.s32 v1, v3  }
0x107: {  	[tilespmem:s20], [sflag:$0x1] =	stream.indirect_vreg.gather [hbm4b:s6+s3], $0x80, v4, vm0, $0xb8;
	[tilespmem:$0x18400] =	vst v63  }
0x108: {  	s20 =	simm.s32 $0xA400  }
0x109: {  	[tilespmem:s20], [sflag:$0x1] =	stream.indirect_vreg.gather [hbm4b:s7+s3], $0x80, v4, vm0, $0xb8;
	[tilespmem:$0x18400] =	vst v63  }
0x10a: {  	s20 =	simm.s32 $0xAC00  }
0x10b: {  	[tilespmem:s20], [sflag:$0x1] =	stream.indirect_vreg.gather [hbm4b:s1+s3], $0x80, v3, vm0, $0xb8;
	[tilespmem:$0x18400] =	vst v63  }
0x10c: {  	s20 =	simm.s32 $0xB400  }
0x10d: {  	[tilespmem:s20], [sflag:$0x1] =	stream.indirect_vreg.gather [hbm4b:s6+s3], $0x80, v3, vm0, $0xb8;
	[tilespmem:$0x18400] =	vst v63  }
0x10e: {  	s20 =	simm.s32 $0xBC00  }
0x10f: {  	[tilespmem:s20], [sflag:$0x1] =	stream.indirect_vreg.gather [hbm4b:s7+s3], $0x80, v3, vm0, $0xb8;
	[tilespmem:$0x18400] =	vst v63  }
0x110: {  	_ =	swait.ge [sflag:s14], $0xC000  }
0x111: {  	s20 =	rddreg [dreg:$0x5]  }
0x112: {  	s19 =	sadd.s32 s20, s19  }
0x113: {  	[sflag:s14] =	ssyncset.done $0x0;
	s19 =	sshrl.u32 s19, $0x3  }
0x114: {  	[sflag:s14] =	ssyncadd.s32 $0xFFFF4000;
	s20 =	simm.s32 $0xC400;
	s19 =	sadd.s32 s21, s19  }
0x115: {  	[hbm4b:s19+s3] =	stream.linear.scatter [tilespmem:s20], [sflag:$0x4], $0xC000, $0x38;
	[tilespmem:$0x18400] =	vst v63  }
0x116: {  	_ =	swait.ge [sflag:s2], $0xC000  }
0x117: {  	[sflag:s2] =	ssyncset.done $0x0  }
0x118: {  	[sflag:s2] =	ssyncadd.s32 $0xFFFF4000  }
0x119: {  	v3 =	vld [tilespmem:s17+$0xFFFFFFD0];
	_ =	sdelay $0x4  }
0x11a: {  	v60 =	vshrl.u32 v3, $0x3  }
0x11b: {  	v4 =	vmul.u32 $0x30, v60  }
0x11c: {  	v3 =	vand.u32 $0x7, v3  }
0x11d: {  	v3 =	vor.u32 v3, v4  }
0x11e: {  	v4 =	vperm.xlane v3, v0;
	_ =	sdelay $0x1  }
0x11f: {  	v4 =	vadd.s32 v1, v4;
	_ =	sdelay $0x3  }
0x120: {  	v3 =	vperm.xlane v3, v2  }
0x121: {  	[tilespmem:s20], [sflag:$0x2] =	stream.indirect_vreg.gather [hbm4b:s1+s3], $0x80, v4, vm0, $0xb8;
	[tilespmem:$0x18400] =	vst v63  }
0x122: {  	v3 =	vadd.s32 v1, v3;
	s20 =	simm.s32 $0xCC00  }
0x123: {  	[tilespmem:s20], [sflag:$0x2] =	stream.indirect_vreg.gather [hbm4b:s6+s3], $0x80, v4, vm0, $0xb8;
	[tilespmem:$0x18400] =	vst v63  }
0x124: {  	s20 =	simm.s32 $0xD400  }
0x125: {  	[tilespmem:s20], [sflag:$0x2] =	stream.indirect_vreg.gather [hbm4b:s7+s3], $0x80, v4, vm0, $0xb8;
	[tilespmem:$0x18400] =	vst v63  }
0x126: {  	s20 =	simm.s32 $0xDC00  }
0x127: {  	[tilespmem:s20], [sflag:$0x2] =	stream.indirect_vreg.gather [hbm4b:s1+s3], $0x80, v3, vm0, $0xb8;
	[tilespmem:$0x18400] =	vst v63  }
0x128: {  	s20 =	simm.s32 $0xE400  }
0x129: {  	[tilespmem:s20], [sflag:$0x2] =	stream.indirect_vreg.gather [hbm4b:s6+s3], $0x80, v3, vm0, $0xb8;
	[tilespmem:$0x18400] =	vst v63  }
0x12a: {  	s20 =	simm.s32 $0xEC00  }
0x12b: {  	[tilespmem:s20], [sflag:$0x2] =	stream.indirect_vreg.gather [hbm4b:s7+s3], $0x80, v3, vm0, $0xb8;
	[tilespmem:$0x18400] =	vst v63  }
0x12c: {  	v3 =	vld [tilespmem:s17+$0xFFFFFFE0];
	_ =	sdelay $0x4  }
0x12d: {  	v61 =	vshrl.u32 v3, $0x3  }
0x12e: {  	v4 =	vmul.u32 $0x30, v61  }
0x12f: {  	v3 =	vand.u32 $0x7, v3  }
0x130: {  	v3 =	vor.u32 v3, v4  }
0x131: {  	v4 =	vperm.xlane v3, v0;
	_ =	sdelay $0x1  }
0x132: {  	v4 =	vadd.s32 v1, v4;
	_ =	sdelay $0x3  }
0x133: {  	s20 =	simm.s32 $0xF400;
	v3 =	vperm.xlane v3, v2  }
0x134: {  	[tilespmem:s20], [sflag:$0x2] =	stream.indirect_vreg.gather [hbm4b:s1+s3], $0x80, v4, vm0, $0xb8;
	[tilespmem:$0x18400] =	vst v63  }
0x135: {  	v3 =	vadd.s32 v1, v3;
	s20 =	simm.s32 $0xFC00  }
0x136: {  	[tilespmem:s20], [sflag:$0x2] =	stream.indirect_vreg.gather [hbm4b:s6+s3], $0x80, v4, vm0, $0xb8;
	[tilespmem:$0x18400] =	vst v63  }
0x137: {  	s20 =	simm.s32 $0x10400  }
0x138: {  	[tilespmem:s20], [sflag:$0x2] =	stream.indirect_vreg.gather [hbm4b:s7+s3], $0x80, v4, vm0, $0xb8;
	[tilespmem:$0x18400] =	vst v63  }
0x139: {  	s20 =	simm.s32 $0x10C00  }
0x13a: {  	[tilespmem:s20], [sflag:$0x2] =	stream.indirect_vreg.gather [hbm4b:s1+s3], $0x80, v3, vm0, $0xb8;
	[tilespmem:$0x18400] =	vst v63  }
0x13b: {  	s20 =	simm.s32 $0x11400  }
0x13c: {  	[tilespmem:s20], [sflag:$0x2] =	stream.indirect_vreg.gather [hbm4b:s6+s3], $0x80, v3, vm0, $0xb8;
	[tilespmem:$0x18400] =	vst v63  }
0x13d: {  	s20 =	simm.s32 $0x11C00  }
0x13e: {  	[tilespmem:s20], [sflag:$0x2] =	stream.indirect_vreg.gather [hbm4b:s7+s3], $0x80, v3, vm0, $0xb8;
	[tilespmem:$0x18400] =	vst v63  }
0x13f: {  	v3 =	vld [tilespmem:s17+$0xFFFFFFF0];
	_ =	sdelay $0x4  }
0x140: {  	v62 =	vshrl.u32 v3, $0x3  }
0x141: {  	v4 =	vmul.u32 $0x30, v62  }
0x142: {  	v3 =	vand.u32 $0x7, v3  }
0x143: {  	v3 =	vor.u32 v3, v4  }
0x144: {  	v4 =	vperm.xlane v3, v0;
	_ =	sdelay $0x1  }
0x145: {  	v4 =	vadd.s32 v1, v4;
	_ =	sdelay $0x3  }
0x146: {  	s20 =	simm.s32 $0x12400;
	v3 =	vperm.xlane v3, v2  }
0x147: {  	[tilespmem:s20], [sflag:$0x2] =	stream.indirect_vreg.gather [hbm4b:s1+s3], $0x80, v4, vm0, $0xb8;
	[tilespmem:$0x18400] =	vst v63  }
0x148: {  	v3 =	vadd.s32 v1, v3;
	s20 =	simm.s32 $0x12C00  }
0x149: {  	[tilespmem:s20], [sflag:$0x2] =	stream.indirect_vreg.gather [hbm4b:s6+s3], $0x80, v4, vm0, $0xb8;
	[tilespmem:$0x18400] =	vst v63  }
0x14a: {  	s20 =	simm.s32 $0x13400  }
0x14b: {  	[tilespmem:s20], [sflag:$0x2] =	stream.indirect_vreg.gather [hbm4b:s7+s3], $0x80, v4, vm0, $0xb8;
	[tilespmem:$0x18400] =	vst v63  }
0x14c: {  	s20 =	simm.s32 $0x13C00  }
0x14d: {  	[tilespmem:s20], [sflag:$0x2] =	stream.indirect_vreg.gather [hbm4b:s1+s3], $0x80, v3, vm0, $0xb8;
	[tilespmem:$0x18400] =	vst v63  }
0x14e: {  	s20 =	simm.s32 $0x14400  }
0x14f: {  	[tilespmem:s20], [sflag:$0x2] =	stream.indirect_vreg.gather [hbm4b:s6+s3], $0x80, v3, vm0, $0xb8;
	[tilespmem:$0x18400] =	vst v63  }
0x150: {  	s20 =	simm.s32 $0x14C00  }
0x151: {  	[tilespmem:s20], [sflag:$0x2] =	stream.indirect_vreg.gather [hbm4b:s7+s3], $0x80, v3, vm0, $0xb8;
	[tilespmem:$0x18400] =	vst v63  }
0x152: {  	v3 =	vld [tilespmem:s17+$0x0];
	_ =	sdelay $0x4  }
0x153: {  	v63 =	vshrl.u32 v3, $0x3  }
0x154: {  	v4 =	vmul.u32 $0x30, v63  }
0x155: {  	v3 =	vand.u32 $0x7, v3  }
0x156: {  	v3 =	vor.u32 v3, v4  }
0x157: {  	v4 =	vperm.xlane v3, v0;
	_ =	sdelay $0x1  }
0x158: {  	v4 =	vadd.s32 v1, v4;
	_ =	sdelay $0x3  }
0x159: {  	s20 =	simm.s32 $0x15400;
	v3 =	vperm.xlane v3, v2  }
0x15a: {  	[tilespmem:s20], [sflag:$0x2] =	stream.indirect_vreg.gather [hbm4b:s1+s3], $0x80, v4, vm0, $0xb8;
	[tilespmem:$0x18400] =	vst v63  }
0x15b: {  	v3 =	vadd.s32 v1, v3;
	s20 =	simm.s32 $0x15C00  }
0x15c: {  	[tilespmem:s20], [sflag:$0x2] =	stream.indirect_vreg.gather [hbm4b:s6+s3], $0x80, v4, vm0, $0xb8;
	[tilespmem:$0x18400] =	vst v63  }
0x15d: {  	s20 =	simm.s32 $0x16400  }
0x15e: {  	[tilespmem:s20], [sflag:$0x2] =	stream.indirect_vreg.gather [hbm4b:s7+s3], $0x80, v4, vm0, $0xb8;
	[tilespmem:$0x18400] =	vst v63  }
0x15f: {  	s20 =	simm.s32 $0x16C00  }
0x160: {  	[tilespmem:s20], [sflag:$0x2] =	stream.indirect_vreg.gather [hbm4b:s1+s3], $0x80, v3, vm0, $0xb8;
	[tilespmem:$0x18400] =	vst v63  }
0x161: {  	s20 =	simm.s32 $0x17400  }
0x162: {  	[tilespmem:s20], [sflag:$0x2] =	stream.indirect_vreg.gather [hbm4b:s6+s3], $0x80, v3, vm0, $0xb8;
	[tilespmem:$0x18400] =	vst v63  }
0x163: {  	s20 =	simm.s32 $0x17C00  }
0x164: {  	[tilespmem:s20], [sflag:$0x2] =	stream.indirect_vreg.gather [hbm4b:s7+s3], $0x80, v3, vm0, $0xb8;
	[tilespmem:$0x18400] =	vst v63  }
0x165: {  	_ =	swait.ge [sflag:s10], $0xC000  }
0x166: {  	s19 =	rddreg [dreg:$0x6];
	[sflag:s10] =	ssyncset.done $0x0  }
0x167: {  	[sflag:s10] =	ssyncadd.s32 $0xFFFF4000;
	s19 =	sadd.s32 s16, s19;
	s16 =	sadd.s32 $0x3000, s16  }
0x168: {  	[hbm4b:s19+s3] =	stream.linear.scatter [tilespmem:s8], [sflag:$0x3], $0xC000, $0x38;
	[tilespmem:$0x18400] =	vst v63  }
0x169: {  	p0 =	sne.s32 s16, $0x15000  }
.Ltmp0:
0x16a: {  	s18 =	sadd.s32 $0x1, s18;
	(pc) =	sbr.rel @p0 .LBB2_2-.Ltmp0, $4  }
0x16b: {  	s20 =	rddreg [dreg:$0x4];
	s19 =	sshll.u32 s18, $0x7  }
0x16c: {  	s19 =	sor.u32 s20, s19  }
0x16d: {  	s29 =	simm.s32 $0xC400;
	s19 =	sshrl.u32 s19, $0x3  }
0x16e: {  	s17 =	sadd.s32 $0x80, s17;
	s20 =	simm.s32 $0xC00;
	s19 =	smul.u32 $0x1800, s19  }
0x16f: {  	_ =	swait.ge [sflag:s14], $0xC000  }
0x170: {  	[sflag:s14] =	ssyncset.done $0x0;
	s17 =	rddreg [dreg:$0xb]  }
0x171: {  	[sflag:s14] =	ssyncadd.s32 $0xFFFF4000;
	s16 =	sadd.s32 s16, s17  }
0x172: {  	[hbm4b:s16+s3] =	stream.linear.scatter [tilespmem:s29], [sflag:$0x4], $0xC000, $0x38;
	[tilespmem:$0x18400] =	vst v63  }
0x173: {  	_ =	swait.ge [sflag:s11], $0xC000  }
0x174: {  	[sflag:s11] =	ssyncset.done $0x0  }
0x175: {  	[sflag:s11] =	ssyncadd.s32 $0xFFFF4000  }
0x176: {  	s19 =	simm.s32 $0x1400;
	_ =	swait.ge [sflag:s2], $0xC000  }
0x177: {  	s21 =	simm.s32 $0x1C00;
	s22 =	simm.s32 $0x2400;
	s25 =	rddreg [dreg:$0xc]  }
0x178: {  	s23 =	simm.s32 $0x2C00;
	s26 =	rddreg [dreg:$0x9];
	s17 =	sadd.s32 $0x1, s25  }
0x179: {  	s24 =	simm.s32 $0x3400;
	s28 =	simm.s32 $0x4C00;
	p0 =	sne.s32 s17, s26  }
.Ltmp1:
0x17a: {  	s30 =	simm.s32 $0x5400;
	s0 =	simm.s32 $0x5C00;
	(pc) =	sbr.rel @p0 .LBB2_1-.Ltmp1, $4  }
0x17b: {  	s4 =	simm.s32 $0x6400;
	s12 =	simm.s32 $0x6C00;
	s13 =	simm.s32 $0x7400  }
0x17c: {  	s5 =	simm.s32 $0x7C00;
	s9 =	simm.s32 $0x8400;
	s15 =	simm.s32 $0x8C00  }
0x17d: {  	s8 =	simm.s32 $0x9400;
	s31 =	simm.s32 $0x9C00;
	[sflag:s2] =	ssyncset.done $0x0  }
0x17e: {  	[sflag:s2] =	ssyncadd.s32 $0xFFFF4000;
	s25 =	simm.s32 $0x3C00;
	s26 =	simm.s32 $0x4400  }
0x17f: {  	_ =	sfence.sel $0x180000  }
0x180: {  	[bflag:$0x0] =	sbarrier.arrive $0xFFFF  }
0x181: {  	_ =	strace $0x90000047  }
0x182: {  	s0 =	stileid.u32;
	[bflag:$0x2] =	sbarrier.arrive $0xFFFF  }
0x183: {  	p0 =	sne.s32 s0, $0x0;
	s0 =	rddreg [dreg:$0x3]  }
0x184: {  	s0 =	sadd.s32 @!p0 $0x100000, s0  }
0x185: {  	[sflag:s0] =	ssyncadd.tile.s32 @!p0 $0x1;
	_ =	shalt  }
.Lfunc_end2:
_tile_overlayer_lowered:
.L_overlay_start_2:
0x186: {  	(tag) =	ssettag $0x2  }
0x187: {  	s0 =	rddreg [dreg:$0x0];
	s2 =	stileid.u32  }
0x188: {  	s1 =	rddreg [dreg:$0x1];
	p0 =	sne.s32 s2, $0x0  }
0x189: {  	s3 =	rddreg [dreg:$0x2];
	[bflag:$0x3] =	sbarrier.arrive $0xFFFF;
	s2 =	simm.s32 @!p0 $0x1C05  }
0x18a: {  	[timem:s3], [sflag:s2] =	dma.local @!p0 [hbm:s0], s1  }
0x18b: {  	s0 =	simm.s32 @!p0 $0x5  }
0x18c: {  	_ =	swait.ge @!p0 [sflag:s0], s1  }
0x18d: {  	s1 =	ssub.s32 @!p0 $0x0, s1;
	[sflag:s0] =	ssyncset.done @!p0 $0x0  }
0x18e: {  	[sflag:s0] =	ssyncadd.s32 @!p0 s1  }
0x18f: {  	[bflag:$0x3] =	sbarrier.arrive $0xFFFF  }
0x190: {  	_ =	shalt  }

</sc_bundles>
